<compile_context>
chip_gen: v7x
topology: tpu7x:2x2x1
jax: 0.10.2.dev20260603
libtpu: 0.0.44.dev20260713+nightly
codegen_flags: <defaults>
</compile_context>

<pallas_src>
import functools

import jax
import jax.numpy as jnp
from jax import lax
from jax.experimental import pallas as pl
from jax.experimental.pallas import tpu as pltpu
from jax.experimental.pallas import tpu_sc as plsc

N = 10000
NPAD = 10240
D = 128
E = 320000
NW = 32
EPW = 10240
EPAD = NW * EPW
DWIN = 128
DNWIN = EPW // DWIN
WIN = 128
NBUF = 2
TWIN = EPAD // WIN
CH = 40
W0 = 120
W1 = TWIN // 16 - W0
RPW = NPAD // NW
G = 64
OUT = 8

_MESH = plsc.VectorSubcoreMesh(core_axis_name="c", subcore_axis_name="s")


@functools.partial(
    pl.kernel,
    out_type=jax.ShapeDtypeStruct((2 * NPAD, 16), jnp.float32),
    mesh=_MESH,
    scratch_types=[
        pltpu.VMEM((DNWIN, DWIN), jnp.int32),
        pltpu.VMEM((DWIN, 16), jnp.float32),
        pltpu.VMEM_SHARED((NPAD, 16), jnp.float32),
        pltpu.SemaphoreType.DMA,
    ],
)
def _sc_degree(dst_hbm, ones_hbm, zeros_hbm, deg_hbm, dst_all, ones_v,
               deg_sh, sem):
    c = lax.axis_index("c")
    s = lax.axis_index("s")
    wid = c * 16 + s
    pltpu.sync_copy(ones_hbm, ones_v)
    pltpu.sync_copy(zeros_hbm, deg_sh.at[pl.ds(s * RPW, RPW)])
    pltpu.sync_copy(dst_hbm.at[pl.ds(wid * DNWIN, DNWIN)], dst_all)
    plsc.subcore_barrier()

    @pl.loop(0, DNWIN, step=8)
    def _(w):
        for j in range(8):
            pltpu.async_copy(ones_v, deg_sh.at[dst_all.at[w + j]], sem,
                             add=True)
        for j in range(8):
            pltpu.make_async_copy(ones_v, deg_sh.at[dst_all.at[w + j]],
                                  sem).wait()

    plsc.subcore_barrier()
    pltpu.sync_copy(
        deg_sh.at[pl.ds(s * RPW, RPW)],
        deg_hbm.at[pl.ds(c * NPAD + s * RPW, RPW)],
    )


@functools.partial(
    pl.kernel,
    out_type=jax.ShapeDtypeStruct((2 * NPAD, D), jnp.float32),
    mesh=_MESH,
    scratch_types=[
        pltpu.VMEM((CH, WIN), jnp.int32),
        pltpu.VMEM((CH, WIN), jnp.int32),
        [pltpu.VMEM((WIN, D), jnp.float32)] * NBUF,
        [pltpu.SemaphoreType.DMA] * NBUF,
        [pltpu.SemaphoreType.DMA] * NBUF,
        pltpu.VMEM_SHARED((NPAD, D), jnp.float32),
    ],
)
def _sc_aggregate(h_hbm, src_hbm, dst_hbm, zeros_hbm, agg_hbm,
                  src_h, dst_h, rows, sem_g, sem_s, acc_sh):
    c = lax.axis_index("c")
    s = lax.axis_index("s")
    pltpu.sync_copy(zeros_hbm, acc_sh.at[pl.ds(s * RPW, RPW)])
    plsc.subcore_barrier()
    tile_base = jnp.where(c == 0, s * W0, 16 * W0 + s * W1)
    nch = jnp.where(c == 0, W0 // CH, W1 // CH)

    @pl.loop(0, nch)
    def _(chunk):
        base = tile_base + chunk * CH
        pltpu.sync_copy(src_hbm.at[pl.ds(base, CH)], src_h)
        pltpu.sync_copy(dst_hbm.at[pl.ds(base, CH)], dst_h)
        for j in range(NBUF):
            pltpu.async_copy(h_hbm.at[src_h.at[j]], rows[j], sem_g[j])

        @pl.loop(0, CH, step=NBUF)
        def _(w):
            descs = []
            for j in range(NBUF):
                pltpu.make_async_copy(h_hbm.at[src_h.at[w + j]], rows[j],
                                      sem_g[j]).wait()
                descs.append(
                    pltpu.async_copy(rows[j], acc_sh.at[dst_h.at[w + j]],
                                     sem_s[j], add=True))
            for j in range(NBUF):
                descs[j].wait()

                @pl.when(w + NBUF + j < CH)
                def _(j=j):
                    pltpu.async_copy(h_hbm.at[src_h.at[w + NBUF + j]],
                                     rows[j], sem_g[j])

    plsc.subcore_barrier()
    pltpu.sync_copy(
        acc_sh.at[pl.ds(s * RPW, RPW)],
        agg_hbm.at[pl.ds(c * NPAD + s * RPW, RPW)],
    )


def _tc_matmul_block(x_ref, w_ref, o_ref):
    o_ref[...] = jnp.dot(x_ref[...], w_ref[...],
                         preferred_element_type=jnp.float32)


def _tc_scale_block(h_ref, d0_ref, d1_ref, o_ref):
    deg = d0_ref[:, :1] + d1_ref[:, :1] + 1.0
    o_ref[...] = h_ref[...] * lax.rsqrt(deg)


def _tc_post_body(agg_ref, hs_ref, deg_ref, bconv_ref, batch_ref,
                  wlin_ref, blin_ref, logits_ref, xpool_ref, hout_ref):
    agg = agg_ref[pl.ds(0, NPAD), :] + agg_ref[pl.ds(NPAD, NPAD), :]
    deg = deg_ref[pl.ds(0, NPAD), :1] + deg_ref[pl.ds(NPAD, NPAD), :1] + 1.0
    dis = lax.rsqrt(deg)
    pre = dis * (agg + hs_ref[...]) + bconv_ref[...]
    hout_ref[...] = jnp.maximum(pre, 0.0)
    b2d = batch_ref[...]

    def graph_body(g, carry):
        start = jnp.sum(jnp.where(b2d < g, 1, 0))
        cnt = jnp.sum(jnp.where(b2d == g, 1, 0))

        def cond(kc):
            return kc[0] * 32 < cnt

        def body(kc):
            k, acc = kc
            rows = hout_ref[pl.ds(start + k * 32, 32), :]
            rid = lax.broadcasted_iota(jnp.int32, (32, D), 0) + k * 32
            rows = jnp.where(rid < cnt, rows, 0.0)
            return k + 1, jnp.maximum(acc, rows)

        _, acc = lax.while_loop(
            cond, body, (jnp.int32(0), jnp.zeros((32, D), jnp.float32)))
        xpool_ref[pl.ds(g, 1), :] = jnp.max(acc, axis=0, keepdims=True)
        return carry

    lax.fori_loop(0, G, graph_body, 0)
    logits_ref[...] = (
        jnp.dot(xpool_ref[...], wlin_ref[...],
                preferred_element_type=jnp.float32) + blin_ref[...])


def kernel(x, edge_index, batch, W_conv, b_conv, W_lin, b_lin):
    x_pad = jnp.zeros((NPAD, D), jnp.float32).at[:N].set(x)
    pad_idx = jnp.full((EPAD - E,), NPAD - 1, jnp.int32)
    src = jnp.concatenate([edge_index[0], pad_idx]).reshape(TWIN, WIN)
    dst_flat = jnp.concatenate([edge_index[1], pad_idx])
    dst = dst_flat.reshape(TWIN, WIN)
    dst_deg = dst_flat.reshape(NW * DNWIN, DWIN)
    ones16 = jnp.ones((DWIN, 16), jnp.float32)
    zeros16 = jnp.zeros((RPW, 16), jnp.float32)
    zerosD = jnp.zeros((RPW, D), jnp.float32)
    batch_pad = jnp.concatenate(
        [batch, jnp.full((NPAD - N,), G, jnp.int32)]).reshape(NPAD // D, D)

    degp = _sc_degree(dst_deg, ones16, zeros16)

    h = pl.pallas_call(
        _tc_matmul_block,
        grid=(NPAD // 256,),
        in_specs=[pl.BlockSpec((256, D), lambda i: (i, 0)),
                  pl.BlockSpec((D, D), lambda i: (0, 0))],
        out_specs=pl.BlockSpec((256, D), lambda i: (i, 0)),
        out_shape=jax.ShapeDtypeStruct((NPAD, D), jnp.float32),
    )(x_pad, W_conv)

    h_scaled = pl.pallas_call(
        _tc_scale_block,
        grid=(NPAD // 256,),
        in_specs=[pl.BlockSpec((256, D), lambda i: (i, 0)),
                  pl.BlockSpec((256, 16), lambda i: (i, 0)),
                  pl.BlockSpec((256, 16), lambda i: (i + NPAD // 256, 0))],
        out_specs=pl.BlockSpec((256, D), lambda i: (i, 0)),
        out_shape=jax.ShapeDtypeStruct((NPAD, D), jnp.float32),
    )(h, degp, degp)

    aggp = _sc_aggregate(h_scaled, src, dst, zerosD)

    logits, x_pool = pl.pallas_call(
        _tc_post_body,
        out_shape=(jax.ShapeDtypeStruct((G, OUT), jnp.float32),
                   jax.ShapeDtypeStruct((G, D), jnp.float32)),
        scratch_shapes=[pltpu.VMEM((NPAD, D), jnp.float32)],
    )(aggp, h_scaled, degp, b_conv.reshape(1, D), batch_pad,
      W_lin, b_lin.reshape(1, OUT))
    return (logits, x_pool)

# --- scband reference (transcript-rebuilt; emitter-appended) ---
"""Pipeline reference for scband-gcn-25563645346635 (READ-ONLY COPY).

The authoritative reference and input builder live on the scoring server;
editing this copy changes nothing except your own understanding.
"""

import jax, jax.numpy as jnp
import numpy as np

N_NODES = 10000
N_EDGES = 320000
D_FEAT = 128
HIDDEN = 128
OUT = 8
N_GRAPHS = 64


def setup_inputs(seed: int = 0) -> dict:
    key = jax.random.key(seed)
    k1, k2, k3, k4, k5 = jax.random.split(key, 5)
    x = jax.random.normal(k1, (N_NODES, D_FEAT), dtype=jnp.float32)
    edge_index = jax.random.randint(k2, (2, N_EDGES), 0, N_NODES, dtype=jnp.int32)
    batch = jnp.sort(jax.random.randint(k3, (N_NODES,), 0, N_GRAPHS, dtype=jnp.int32))
    W_conv = jax.random.normal(k4, (D_FEAT, HIDDEN), dtype=jnp.float32) * (1.0 / np.sqrt(D_FEAT))
    b_conv = jnp.zeros((HIDDEN,), dtype=jnp.float32)
    W_lin = jax.random.normal(k5, (HIDDEN, OUT), dtype=jnp.float32) * (1.0 / np.sqrt(HIDDEN))
    b_lin = jnp.zeros((OUT,), dtype=jnp.float32)
    return {"x": x, "edge_index": edge_index, "batch": batch, "W_conv": W_conv, "b_conv": b_conv, "W_lin": W_lin, "b_lin": b_lin}


def reference(x, edge_index, batch, W_conv, b_conv, W_lin, b_lin):
    N = x.shape[0]
    # GCNConv: add self loops, symmetric normalization, aggregate at dst
    loop = jnp.arange(N, dtype=edge_index.dtype)
    src = jnp.concatenate([edge_index[0], loop])
    dst = jnp.concatenate([edge_index[1], loop])
    deg = jnp.zeros((N,), dtype=x.dtype).at[dst].add(1.0)
    deg_inv_sqrt = jnp.where(deg > 0, jax.lax.rsqrt(deg), 0.0)
    norm = deg_inv_sqrt[src] * deg_inv_sqrt[dst]
    h = x @ W_conv  # [N, HIDDEN]
    msg = h[src] * norm[:, None]  # gather (memory-bound)
    agg = jnp.zeros((N, HIDDEN), dtype=x.dtype).at[dst].add(msg)  # scatter-add
    h_out = agg + b_conv
    h_out = jax.nn.relu(h_out)
    # global_max_pool over batch (segment max)
    x_pool = jax.ops.segment_max(h_out, batch, num_segments=N_GRAPHS)
    x_pool = jnp.where(jnp.isneginf(x_pool), 0.0, x_pool)
    logits = x_pool @ W_lin + b_lin
    return (logits, x_pool)

if __name__ == "__main__":
    import jax
    _d = setup_inputs()
    print(jax.jit(kernel)(*tuple(_d.values())))

</pallas_src>

<mosaic_0001>
#map = affine_map<(d0, d1) -> (0, 0)>
module attributes {stable_mosaic.version = 14 : i64} {
  func.func @_sc_aggregate(%arg0: i32, %arg1: i32, %arg2: memref<10240x128xf32, #tpu.memory_space<hbm>>, %arg3: memref<2560x128xi32, #tpu.memory_space<hbm>>, %arg4: memref<2560x128xi32, #tpu.memory_space<hbm>>, %arg5: memref<320x128xf32, #tpu.memory_space<hbm>>, %arg6: memref<20480x128xf32, #tpu.memory_space<hbm>>, %arg7: memref<40x128xi32, #tpu.memory_space<vmem>>, %arg8: memref<40x128xi32, #tpu.memory_space<vmem>>, %arg9: memref<128x128xf32, #tpu.memory_space<vmem>>, %arg10: memref<128x128xf32, #tpu.memory_space<vmem>>, %arg11: memref<!tpu.dma_semaphore, #tpu.memory_space<semaphore_mem>>, %arg12: memref<!tpu.dma_semaphore, #tpu.memory_space<semaphore_mem>>, %arg13: memref<!tpu.dma_semaphore, #tpu.memory_space<semaphore_mem>>, %arg14: memref<!tpu.dma_semaphore, #tpu.memory_space<semaphore_mem>>, %arg15: memref<10240x128xf32, #tpu.memory_space<vmem_shared>>) attributes {dimension_semantics = [#tpu.dimension_semantics<core_parallel>, #tpu.dimension_semantics<subcore_parallel>], iteration_bounds = array<i64: 2, 16>, scalar_prefetch = 0 : i64, scratch_operands = 9 : i64, tpu.core_type = #tpu.core_type<sc_vector_subcore>, window_params = [{transform_indices = #map}, {transform_indices = #map}, {transform_indices = #map}, {transform_indices = #map}, {transform_indices = #map}]} {
    %mul3A = arith.constant 320 : i32
    %mul3A_0 = arith.muli %arg1, %mul3A : i32
    "tpu.region"() ({
      %run_scoped3A = tpu.sem_alloc : memref<!tpu.dma_semaphore, #tpu.memory_space<semaphore_mem>>
      %dma_start3A = arith.constant 0 : i32
      %dma_start3A_35 = tpu.memref_slice %arg15[%mul3A_0, %dma_start3A] : memref<10240x128xf32, #tpu.memory_space<vmem_shared>> -> memref<320x128xf32, #tpu.memory_space<vmem_shared>>
      tpu.enqueue_dma source(%arg5 : memref<320x128xf32, #tpu.memory_space<hbm>>) target(%dma_start3A_35 : memref<320x128xf32, #tpu.memory_space<vmem_shared>>) target_semaphore(%run_scoped3A : memref<!tpu.dma_semaphore, #tpu.memory_space<semaphore_mem>>)
      %dma_wait3A = arith.constant 0 : i32
      %dma_wait3A_36 = tpu.memref_slice %arg15[%mul3A_0, %dma_wait3A] : memref<10240x128xf32, #tpu.memory_space<vmem_shared>> -> memref<320x128xf32, #tpu.memory_space<vmem_shared>>
      tpu.wait_dma2 semaphore(%run_scoped3A : memref<!tpu.dma_semaphore, #tpu.memory_space<semaphore_mem>>) src(%arg5 : memref<320x128xf32, #tpu.memory_space<hbm>>) dst(%dma_wait3A_36 : memref<320x128xf32, #tpu.memory_space<vmem_shared>>)
      tpu.yield
    }) : () -> ()
    %barrier3A = arith.constant 0 : index
    tpu.barrier barrier_id(%barrier3A)
    %eq3A = arith.constant 0 : i32
    %eq3A_1 = arith.cmpi eq, %arg0, %eq3A : i32
    %mul3A_2 = arith.constant 120 : i32
    %mul3A_3 = arith.muli %arg1, %mul3A_2 : i32
    %mul3A_4 = arith.constant 40 : i32
    %mul3A_5 = arith.muli %arg1, %mul3A_4 : i32
    %add3A = arith.constant 1920 : i32
    %add3A_6 = arith.addi %add3A, %mul3A_5 : i32
    %select_n3A = arith.select %eq3A_1, %mul3A_3, %add3A_6 : i32
    %eq3A_7 = arith.constant 0 : i32
    %eq3A_8 = arith.cmpi eq, %arg0, %eq3A_7 : i32
    %jit3A = arith.constant 3 : i32
    %jit3A_9 = arith.constant 1 : i32
    %select_n3A_10 = arith.select %eq3A_8, %jit3A, %jit3A_9 : i32
    %sub3A = arith.constant 0 : i32
    %sub3A_11 = arith.subi %select_n3A_10, %sub3A : i32
    %sub3A_12 = arith.constant 1 : i32
    %sub3A_13 = arith.constant 1 : i32
    %sub3A_14 = arith.subi %sub3A_12, %sub3A_13 : i32
    %add3A_15 = arith.addi %sub3A_11, %sub3A_14 : i32
    %div3A = arith.constant 1 : i32
    %div3A_16 = arith.divsi %add3A_15, %div3A : i32
    %while3A = arith.constant 1 : i32
    %while3A_17 = arith.constant 0 : i32
    %while3A_18 = arith.constant 0 : i32
    %while3A_19 = arith.subi %div3A_16, %while3A_18 : i32
    %while3A_20 = arith.addi %while3A_18, %while3A_19 : i32
    %while3A_21 = arith.constant 1 : i32
    %while3A_22 = arith.divsi %while3A_19, %while3A_21 : i32
    %while3A_23 = arith.muli %while3A_22, %while3A_21 : i32
    %while3A_24 = arith.addi %while3A_18, %while3A_23 : i32
    %while3A_25 = arith.constant 1 : i32
    scf.for %while3A_35 = %while3A_18 to %while3A_24 step %while3A_25  : i32 {
      %mul3A_36 = arith.muli %while3A_35, %while3A : i32
      %add3A_37 = arith.addi %while3A_17, %mul3A_36 : i32
      %mul3A_38 = arith.constant 40 : i32
      %mul3A_39 = arith.muli %add3A_37, %mul3A_38 : i32
      %add3A_40 = arith.addi %select_n3A, %mul3A_39 : i32
      "tpu.region"() ({
        %run_scoped3A = tpu.sem_alloc : memref<!tpu.dma_semaphore, #tpu.memory_space<semaphore_mem>>
        %dma_start3A_58 = arith.constant 0 : i32
        %dma_start3A_59 = tpu.memref_slice %arg3[%add3A_40, %dma_start3A_58] : memref<2560x128xi32, #tpu.memory_space<hbm>> -> memref<40x128xi32, #tpu.memory_space<hbm>>
        %dma_start3A_60 = arith.constant 0 : i32
        %dma_start3A_61 = tpu.memref_slice %arg3[%add3A_40, %dma_start3A_60] : memref<2560x128xi32, #tpu.memory_space<hbm>> -> memref<40x128xi32, #tpu.memory_space<hbm>>
        tpu.enqueue_dma source(%dma_start3A_61 : memref<40x128xi32, #tpu.memory_space<hbm>>) target(%arg7 : memref<40x128xi32, #tpu.memory_space<vmem>>) target_semaphore(%run_scoped3A : memref<!tpu.dma_semaphore, #tpu.memory_space<semaphore_mem>>)
        %dma_wait3A = arith.constant 0 : i32
        %dma_wait3A_62 = tpu.memref_slice %arg3[%add3A_40, %dma_wait3A] : memref<2560x128xi32, #tpu.memory_space<hbm>> -> memref<40x128xi32, #tpu.memory_space<hbm>>
        %dma_wait3A_63 = arith.constant 0 : i32
        %dma_wait3A_64 = tpu.memref_slice %arg3[%add3A_40, %dma_wait3A_63] : memref<2560x128xi32, #tpu.memory_space<hbm>> -> memref<40x128xi32, #tpu.memory_space<hbm>>
        tpu.wait_dma2 semaphore(%run_scoped3A : memref<!tpu.dma_semaphore, #tpu.memory_space<semaphore_mem>>) src(%dma_wait3A_64 : memref<40x128xi32, #tpu.memory_space<hbm>>) dst(%arg7 : memref<40x128xi32, #tpu.memory_space<vmem>>)
        tpu.yield
      }) : () -> ()
      "tpu.region"() ({
        %run_scoped3A = tpu.sem_alloc : memref<!tpu.dma_semaphore, #tpu.memory_space<semaphore_mem>>
        %dma_start3A_58 = arith.constant 0 : i32
        %dma_start3A_59 = tpu.memref_slice %arg4[%add3A_40, %dma_start3A_58] : memref<2560x128xi32, #tpu.memory_space<hbm>> -> memref<40x128xi32, #tpu.memory_space<hbm>>
        %dma_start3A_60 = arith.constant 0 : i32
        %dma_start3A_61 = tpu.memref_slice %arg4[%add3A_40, %dma_start3A_60] : memref<2560x128xi32, #tpu.memory_space<hbm>> -> memref<40x128xi32, #tpu.memory_space<hbm>>
        tpu.enqueue_dma source(%dma_start3A_61 : memref<40x128xi32, #tpu.memory_space<hbm>>) target(%arg8 : memref<40x128xi32, #tpu.memory_space<vmem>>) target_semaphore(%run_scoped3A : memref<!tpu.dma_semaphore, #tpu.memory_space<semaphore_mem>>)
        %dma_wait3A = arith.constant 0 : i32
        %dma_wait3A_62 = tpu.memref_slice %arg4[%add3A_40, %dma_wait3A] : memref<2560x128xi32, #tpu.memory_space<hbm>> -> memref<40x128xi32, #tpu.memory_space<hbm>>
        %dma_wait3A_63 = arith.constant 0 : i32
        %dma_wait3A_64 = tpu.memref_slice %arg4[%add3A_40, %dma_wait3A_63] : memref<2560x128xi32, #tpu.memory_space<hbm>> -> memref<40x128xi32, #tpu.memory_space<hbm>>
        tpu.wait_dma2 semaphore(%run_scoped3A : memref<!tpu.dma_semaphore, #tpu.memory_space<semaphore_mem>>) src(%dma_wait3A_64 : memref<40x128xi32, #tpu.memory_space<hbm>>) dst(%arg8 : memref<40x128xi32, #tpu.memory_space<vmem>>)
        tpu.yield
      }) : () -> ()
      %dma_start3A = arith.constant 0 : i32
      %dma_start3A_41 = arith.constant 0 : i32
      %dma_start3A_42 = tpu.memref_slice %arg7[%dma_start3A, %dma_start3A_41] : memref<40x128xi32, #tpu.memory_space<vmem>> -> memref<1x128xi32, #tpu.memory_space<vmem>>
      %dma_start3A_43 = tpu.memref_squeeze %dma_start3A_42 : memref<1x128xi32, #tpu.memory_space<vmem>> -> memref<128xi32, #tpu.memory_space<vmem>>
      %dma_start3A_44 = arith.constant 0 : i32
      %dma_start3A_45 = arith.constant 0 : i32
      %dma_start3A_46 = tpu.memref_slice %arg2[%dma_start3A_44, %dma_start3A_45] : memref<10240x128xf32, #tpu.memory_space<hbm>> -> memref<10240x128xf32, #tpu.memory_space<hbm>>
      tpu.enqueue_indirect_dma source(%dma_start3A_46 : memref<10240x128xf32, #tpu.memory_space<hbm>>) target(%arg9 : memref<128x128xf32, #tpu.memory_space<vmem>>) offsets(%dma_start3A_43 : memref<128xi32, #tpu.memory_space<vmem>>) semaphore(%arg11 : memref<!tpu.dma_semaphore, #tpu.memory_space<semaphore_mem>>)
      %dma_start3A_47 = arith.constant 1 : i32
      %dma_start3A_48 = arith.constant 0 : i32
      %dma_start3A_49 = tpu.memref_slice %arg7[%dma_start3A_47, %dma_start3A_48] : memref<40x128xi32, #tpu.memory_space<vmem>> -> memref<1x128xi32, #tpu.memory_space<vmem>>
      %dma_start3A_50 = tpu.memref_squeeze %dma_start3A_49 : memref<1x128xi32, #tpu.memory_space<vmem>> -> memref<128xi32, #tpu.memory_space<vmem>>
      %dma_start3A_51 = arith.constant 0 : i32
      %dma_start3A_52 = arith.constant 0 : i32
      %dma_start3A_53 = tpu.memref_slice %arg2[%dma_start3A_51, %dma_start3A_52] : memref<10240x128xf32, #tpu.memory_space<hbm>> -> memref<10240x128xf32, #tpu.memory_space<hbm>>
      tpu.enqueue_indirect_dma source(%dma_start3A_53 : memref<10240x128xf32, #tpu.memory_space<hbm>>) target(%arg10 : memref<128x128xf32, #tpu.memory_space<vmem>>) offsets(%dma_start3A_50 : memref<128xi32, #tpu.memory_space<vmem>>) semaphore(%arg12 : memref<!tpu.dma_semaphore, #tpu.memory_space<semaphore_mem>>)
      %scan3A = arith.constant 0 : i32
      %scan3A_54 = arith.constant 20 : i32
      %scan3A_55 = arith.addi %scan3A, %scan3A_54 : i32
      %scan3A_56 = arith.constant 1 : i32
      scf.for %scan3A_58 = %scan3A to %scan3A_55 step %scan3A_56  : i32 {
        %mul3A_59 = arith.constant 2 : i32
        %mul3A_60 = arith.muli %scan3A_58, %mul3A_59 : i32
        %add3A_61 = arith.constant 0 : i32
        %add3A_62 = arith.addi %add3A_61, %mul3A_60 : i32
        %add3A_63 = arith.constant 0 : i32
        %add3A_64 = arith.addi %add3A_62, %add3A_63 : i32
        %dma_wait3A = arith.constant 0 : i32
        %dma_wait3A_65 = tpu.memref_slice %arg7[%add3A_64, %dma_wait3A] : memref<40x128xi32, #tpu.memory_space<vmem>> -> memref<1x128xi32, #tpu.memory_space<vmem>>
        %dma_wait3A_66 = tpu.memref_squeeze %dma_wait3A_65 : memref<1x128xi32, #tpu.memory_space<vmem>> -> memref<128xi32, #tpu.memory_space<vmem>>
        %dma_wait3A_67 = arith.constant 0 : i32
        %dma_wait3A_68 = arith.constant 0 : i32
        %dma_wait3A_69 = tpu.memref_slice %arg2[%dma_wait3A_67, %dma_wait3A_68] : memref<10240x128xf32, #tpu.memory_space<hbm>> -> memref<10240x128xf32, #tpu.memory_space<hbm>>
        tpu.wait_indirect_dma semaphore(%arg11 : memref<!tpu.dma_semaphore, #tpu.memory_space<semaphore_mem>>) src(%dma_wait3A_69 : memref<10240x128xf32, #tpu.memory_space<hbm>>) dst(%arg9 : memref<128x128xf32, #tpu.memory_space<vmem>>)
        %add3A_70 = arith.constant 0 : i32
        %add3A_71 = arith.addi %add3A_62, %add3A_70 : i32
        %dma_start3A_72 = arith.constant 0 : i32
        %dma_start3A_73 = tpu.memref_slice %arg8[%add3A_71, %dma_start3A_72] : memref<40x128xi32, #tpu.memory_space<vmem>> -> memref<1x128xi32, #tpu.memory_space<vmem>>
        %dma_start3A_74 = tpu.memref_squeeze %dma_start3A_73 : memref<1x128xi32, #tpu.memory_space<vmem>> -> memref<128xi32, #tpu.memory_space<vmem>>
        %dma_start3A_75 = arith.constant 0 : i32
        %dma_start3A_76 = arith.constant 0 : i32
        %dma_start3A_77 = tpu.memref_slice %arg15[%dma_start3A_75, %dma_start3A_76] : memref<10240x128xf32, #tpu.memory_space<vmem_shared>> -> memref<10240x128xf32, #tpu.memory_space<vmem_shared>>
        tpu.enqueue_indirect_dma source(%arg9 : memref<128x128xf32, #tpu.memory_space<vmem>>) target(%dma_start3A_77 : memref<10240x128xf32, #tpu.memory_space<vmem_shared>>) offsets(%dma_start3A_74 : memref<128xi32, #tpu.memory_space<vmem>>) semaphore(%arg13 : memref<!tpu.dma_semaphore, #tpu.memory_space<semaphore_mem>>) {add = true}
        %add3A_78 = arith.constant 1 : i32
        %add3A_79 = arith.addi %add3A_62, %add3A_78 : i32
        %dma_wait3A_80 = arith.constant 0 : i32
        %dma_wait3A_81 = tpu.memref_slice %arg7[%add3A_79, %dma_wait3A_80] : memref<40x128xi32, #tpu.memory_space<vmem>> -> memref<1x128xi32, #tpu.memory_space<vmem>>
        %dma_wait3A_82 = tpu.memref_squeeze %dma_wait3A_81 : memref<1x128xi32, #tpu.memory_space<vmem>> -> memref<128xi32, #tpu.memory_space<vmem>>
        %dma_wait3A_83 = arith.constant 0 : i32
        %dma_wait3A_84 = arith.constant 0 : i32
        %dma_wait3A_85 = tpu.memref_slice %arg2[%dma_wait3A_83, %dma_wait3A_84] : memref<10240x128xf32, #tpu.memory_space<hbm>> -> memref<10240x128xf32, #tpu.memory_space<hbm>>
        tpu.wait_indirect_dma semaphore(%arg12 : memref<!tpu.dma_semaphore, #tpu.memory_space<semaphore_mem>>) src(%dma_wait3A_85 : memref<10240x128xf32, #tpu.memory_space<hbm>>) dst(%arg10 : memref<128x128xf32, #tpu.memory_space<vmem>>)
        %add3A_86 = arith.constant 1 : i32
        %add3A_87 = arith.addi %add3A_62, %add3A_86 : i32
        %dma_start3A_88 = arith.constant 0 : i32
        %dma_start3A_89 = tpu.memref_slice %arg8[%add3A_87, %dma_start3A_88] : memref<40x128xi32, #tpu.memory_space<vmem>> -> memref<1x128xi32, #tpu.memory_space<vmem>>
        %dma_start3A_90 = tpu.memref_squeeze %dma_start3A_89 : memref<1x128xi32, #tpu.memory_space<vmem>> -> memref<128xi32, #tpu.memory_space<vmem>>
        %dma_start3A_91 = arith.constant 0 : i32
        %dma_start3A_92 = arith.constant 0 : i32
        %dma_start3A_93 = tpu.memref_slice %arg15[%dma_start3A_91, %dma_start3A_92] : memref<10240x128xf32, #tpu.memory_space<vmem_shared>> -> memref<10240x128xf32, #tpu.memory_space<vmem_shared>>
        tpu.enqueue_indirect_dma source(%arg10 : memref<128x128xf32, #tpu.memory_space<vmem>>) target(%dma_start3A_93 : memref<10240x128xf32, #tpu.memory_space<vmem_shared>>) offsets(%dma_start3A_90 : memref<128xi32, #tpu.memory_space<vmem>>) semaphore(%arg14 : memref<!tpu.dma_semaphore, #tpu.memory_space<semaphore_mem>>) {add = true}
        %dma_wait3A_94 = arith.constant 0 : i32
        %dma_wait3A_95 = tpu.memref_slice %arg8[%add3A_71, %dma_wait3A_94] : memref<40x128xi32, #tpu.memory_space<vmem>> -> memref<1x128xi32, #tpu.memory_space<vmem>>
        %dma_wait3A_96 = tpu.memref_squeeze %dma_wait3A_95 : memref<1x128xi32, #tpu.memory_space<vmem>> -> memref<128xi32, #tpu.memory_space<vmem>>
        %dma_wait3A_97 = arith.constant 0 : i32
        %dma_wait3A_98 = arith.constant 0 : i32
        %dma_wait3A_99 = tpu.memref_slice %arg15[%dma_wait3A_97, %dma_wait3A_98] : memref<10240x128xf32, #tpu.memory_space<vmem_shared>> -> memref<10240x128xf32, #tpu.memory_space<vmem_shared>>
        tpu.wait_indirect_dma semaphore(%arg13 : memref<!tpu.dma_semaphore, #tpu.memory_space<semaphore_mem>>) src(%arg9 : memref<128x128xf32, #tpu.memory_space<vmem>>) dst(%dma_wait3A_99 : memref<10240x128xf32, #tpu.memory_space<vmem_shared>>)
        %add3A_100 = arith.constant 2 : i32
        %add3A_101 = arith.addi %add3A_62, %add3A_100 : i32
        %add3A_102 = arith.constant 0 : i32
        %add3A_103 = arith.addi %add3A_101, %add3A_102 : i32
        %lt3A = arith.constant 40 : i32
        %lt3A_104 = arith.cmpi slt, %add3A_103, %lt3A : i32
        %convert_element_type3A = arith.extui %lt3A_104 : i1 to i32
        %cond3A = arith.constant 0 : i32
        %cond3A_105 = arith.cmpi ne, %convert_element_type3A, %cond3A : i32
        scf.if %cond3A_105 {
          %add3A_121 = arith.constant 2 : i32
          %add3A_122 = arith.addi %add3A_62, %add3A_121 : i32
          %add3A_123 = arith.constant 0 : i32
          %add3A_124 = arith.addi %add3A_122, %add3A_123 : i32
          %dma_start3A_125 = arith.constant 0 : i32
          %dma_start3A_126 = tpu.memref_slice %arg7[%add3A_124, %dma_start3A_125] : memref<40x128xi32, #tpu.memory_space<vmem>> -> memref<1x128xi32, #tpu.memory_space<vmem>>
          %dma_start3A_127 = tpu.memref_squeeze %dma_start3A_126 : memref<1x128xi32, #tpu.memory_space<vmem>> -> memref<128xi32, #tpu.memory_space<vmem>>
          %dma_start3A_128 = arith.constant 0 : i32
          %dma_start3A_129 = arith.constant 0 : i32
          %dma_start3A_130 = tpu.memref_slice %arg2[%dma_start3A_128, %dma_start3A_129] : memref<10240x128xf32, #tpu.memory_space<hbm>> -> memref<10240x128xf32, #tpu.memory_space<hbm>>
          tpu.enqueue_indirect_dma source(%dma_start3A_130 : memref<10240x128xf32, #tpu.memory_space<hbm>>) target(%arg9 : memref<128x128xf32, #tpu.memory_space<vmem>>) offsets(%dma_start3A_127 : memref<128xi32, #tpu.memory_space<vmem>>) semaphore(%arg11 : memref<!tpu.dma_semaphore, #tpu.memory_space<semaphore_mem>>)
        } else {
        }
        %dma_wait3A_106 = arith.constant 0 : i32
        %dma_wait3A_107 = tpu.memref_slice %arg8[%add3A_87, %dma_wait3A_106] : memref<40x128xi32, #tpu.memory_space<vmem>> -> memref<1x128xi32, #tpu.memory_space<vmem>>
        %dma_wait3A_108 = tpu.memref_squeeze %dma_wait3A_107 : memref<1x128xi32, #tpu.memory_space<vmem>> -> memref<128xi32, #tpu.memory_space<vmem>>
        %dma_wait3A_109 = arith.constant 0 : i32
        %dma_wait3A_110 = arith.constant 0 : i32
        %dma_wait3A_111 = tpu.memref_slice %arg15[%dma_wait3A_109, %dma_wait3A_110] : memref<10240x128xf32, #tpu.memory_space<vmem_shared>> -> memref<10240x128xf32, #tpu.memory_space<vmem_shared>>
        tpu.wait_indirect_dma semaphore(%arg14 : memref<!tpu.dma_semaphore, #tpu.memory_space<semaphore_mem>>) src(%arg10 : memref<128x128xf32, #tpu.memory_space<vmem>>) dst(%dma_wait3A_111 : memref<10240x128xf32, #tpu.memory_space<vmem_shared>>)
        %add3A_112 = arith.constant 2 : i32
        %add3A_113 = arith.addi %add3A_62, %add3A_112 : i32
        %add3A_114 = arith.constant 1 : i32
        %add3A_115 = arith.addi %add3A_113, %add3A_114 : i32
        %lt3A_116 = arith.constant 40 : i32
        %lt3A_117 = arith.cmpi slt, %add3A_115, %lt3A_116 : i32
        %convert_element_type3A_118 = arith.extui %lt3A_117 : i1 to i32
        %cond3A_119 = arith.constant 0 : i32
        %cond3A_120 = arith.cmpi ne, %convert_element_type3A_118, %cond3A_119 : i32
        scf.if %cond3A_120 {
          %add3A_121 = arith.constant 2 : i32
          %add3A_122 = arith.addi %add3A_62, %add3A_121 : i32
          %add3A_123 = arith.constant 1 : i32
          %add3A_124 = arith.addi %add3A_122, %add3A_123 : i32
          %dma_start3A_125 = arith.constant 0 : i32
          %dma_start3A_126 = tpu.memref_slice %arg7[%add3A_124, %dma_start3A_125] : memref<40x128xi32, #tpu.memory_space<vmem>> -> memref<1x128xi32, #tpu.memory_space<vmem>>
          %dma_start3A_127 = tpu.memref_squeeze %dma_start3A_126 : memref<1x128xi32, #tpu.memory_space<vmem>> -> memref<128xi32, #tpu.memory_space<vmem>>
          %dma_start3A_128 = arith.constant 0 : i32
          %dma_start3A_129 = arith.constant 0 : i32
          %dma_start3A_130 = tpu.memref_slice %arg2[%dma_start3A_128, %dma_start3A_129] : memref<10240x128xf32, #tpu.memory_space<hbm>> -> memref<10240x128xf32, #tpu.memory_space<hbm>>
          tpu.enqueue_indirect_dma source(%dma_start3A_130 : memref<10240x128xf32, #tpu.memory_space<hbm>>) target(%arg10 : memref<128x128xf32, #tpu.memory_space<vmem>>) offsets(%dma_start3A_127 : memref<128xi32, #tpu.memory_space<vmem>>) semaphore(%arg12 : memref<!tpu.dma_semaphore, #tpu.memory_space<semaphore_mem>>)
        } else {
        }
      }
      %scan3A_57 = arith.constant 20 : i32
    }
    %while3A_26 = arith.constant 1 : i32
    scf.for %while3A_35 = %while3A_24 to %while3A_20 step %while3A_26  : i32 {
      %mul3A_36 = arith.muli %while3A_35, %while3A : i32
      %add3A_37 = arith.addi %while3A_17, %mul3A_36 : i32
      %mul3A_38 = arith.constant 40 : i32
      %mul3A_39 = arith.muli %add3A_37, %mul3A_38 : i32
      %add3A_40 = arith.addi %select_n3A, %mul3A_39 : i32
      "tpu.region"() ({
        %run_scoped3A = tpu.sem_alloc : memref<!tpu.dma_semaphore, #tpu.memory_space<semaphore_mem>>
        %dma_start3A_58 = arith.constant 0 : i32
        %dma_start3A_59 = tpu.memref_slice %arg3[%add3A_40, %dma_start3A_58] : memref<2560x128xi32, #tpu.memory_space<hbm>> -> memref<40x128xi32, #tpu.memory_space<hbm>>
        %dma_start3A_60 = arith.constant 0 : i32
        %dma_start3A_61 = tpu.memref_slice %arg3[%add3A_40, %dma_start3A_60] : memref<2560x128xi32, #tpu.memory_space<hbm>> -> memref<40x128xi32, #tpu.memory_space<hbm>>
        tpu.enqueue_dma source(%dma_start3A_61 : memref<40x128xi32, #tpu.memory_space<hbm>>) target(%arg7 : memref<40x128xi32, #tpu.memory_space<vmem>>) target_semaphore(%run_scoped3A : memref<!tpu.dma_semaphore, #tpu.memory_space<semaphore_mem>>)
        %dma_wait3A = arith.constant 0 : i32
        %dma_wait3A_62 = tpu.memref_slice %arg3[%add3A_40, %dma_wait3A] : memref<2560x128xi32, #tpu.memory_space<hbm>> -> memref<40x128xi32, #tpu.memory_space<hbm>>
        %dma_wait3A_63 = arith.constant 0 : i32
        %dma_wait3A_64 = tpu.memref_slice %arg3[%add3A_40, %dma_wait3A_63] : memref<2560x128xi32, #tpu.memory_space<hbm>> -> memref<40x128xi32, #tpu.memory_space<hbm>>
        tpu.wait_dma2 semaphore(%run_scoped3A : memref<!tpu.dma_semaphore, #tpu.memory_space<semaphore_mem>>) src(%dma_wait3A_64 : memref<40x128xi32, #tpu.memory_space<hbm>>) dst(%arg7 : memref<40x128xi32, #tpu.memory_space<vmem>>)
        tpu.yield
      }) : () -> ()
      "tpu.region"() ({
        %run_scoped3A = tpu.sem_alloc : memref<!tpu.dma_semaphore, #tpu.memory_space<semaphore_mem>>
        %dma_start3A_58 = arith.constant 0 : i32
        %dma_start3A_59 = tpu.memref_slice %arg4[%add3A_40, %dma_start3A_58] : memref<2560x128xi32, #tpu.memory_space<hbm>> -> memref<40x128xi32, #tpu.memory_space<hbm>>
        %dma_start3A_60 = arith.constant 0 : i32
        %dma_start3A_61 = tpu.memref_slice %arg4[%add3A_40, %dma_start3A_60] : memref<2560x128xi32, #tpu.memory_space<hbm>> -> memref<40x128xi32, #tpu.memory_space<hbm>>
        tpu.enqueue_dma source(%dma_start3A_61 : memref<40x128xi32, #tpu.memory_space<hbm>>) target(%arg8 : memref<40x128xi32, #tpu.memory_space<vmem>>) target_semaphore(%run_scoped3A : memref<!tpu.dma_semaphore, #tpu.memory_space<semaphore_mem>>)
        %dma_wait3A = arith.constant 0 : i32
        %dma_wait3A_62 = tpu.memref_slice %arg4[%add3A_40, %dma_wait3A] : memref<2560x128xi32, #tpu.memory_space<hbm>> -> memref<40x128xi32, #tpu.memory_space<hbm>>
        %dma_wait3A_63 = arith.constant 0 : i32
        %dma_wait3A_64 = tpu.memref_slice %arg4[%add3A_40, %dma_wait3A_63] : memref<2560x128xi32, #tpu.memory_space<hbm>> -> memref<40x128xi32, #tpu.memory_space<hbm>>
        tpu.wait_dma2 semaphore(%run_scoped3A : memref<!tpu.dma_semaphore, #tpu.memory_space<semaphore_mem>>) src(%dma_wait3A_64 : memref<40x128xi32, #tpu.memory_space<hbm>>) dst(%arg8 : memref<40x128xi32, #tpu.memory_space<vmem>>)
        tpu.yield
      }) : () -> ()
      %dma_start3A = arith.constant 0 : i32
      %dma_start3A_41 = arith.constant 0 : i32
      %dma_start3A_42 = tpu.memref_slice %arg7[%dma_start3A, %dma_start3A_41] : memref<40x128xi32, #tpu.memory_space<vmem>> -> memref<1x128xi32, #tpu.memory_space<vmem>>
      %dma_start3A_43 = tpu.memref_squeeze %dma_start3A_42 : memref<1x128xi32, #tpu.memory_space<vmem>> -> memref<128xi32, #tpu.memory_space<vmem>>
      %dma_start3A_44 = arith.constant 0 : i32
      %dma_start3A_45 = arith.constant 0 : i32
      %dma_start3A_46 = tpu.memref_slice %arg2[%dma_start3A_44, %dma_start3A_45] : memref<10240x128xf32, #tpu.memory_space<hbm>> -> memref<10240x128xf32, #tpu.memory_space<hbm>>
      tpu.enqueue_indirect_dma source(%dma_start3A_46 : memref<10240x128xf32, #tpu.memory_space<hbm>>) target(%arg9 : memref<128x128xf32, #tpu.memory_space<vmem>>) offsets(%dma_start3A_43 : memref<128xi32, #tpu.memory_space<vmem>>) semaphore(%arg11 : memref<!tpu.dma_semaphore, #tpu.memory_space<semaphore_mem>>)
      %dma_start3A_47 = arith.constant 1 : i32
      %dma_start3A_48 = arith.constant 0 : i32
      %dma_start3A_49 = tpu.memref_slice %arg7[%dma_start3A_47, %dma_start3A_48] : memref<40x128xi32, #tpu.memory_space<vmem>> -> memref<1x128xi32, #tpu.memory_space<vmem>>
      %dma_start3A_50 = tpu.memref_squeeze %dma_start3A_49 : memref<1x128xi32, #tpu.memory_space<vmem>> -> memref<128xi32, #tpu.memory_space<vmem>>
      %dma_start3A_51 = arith.constant 0 : i32
      %dma_start3A_52 = arith.constant 0 : i32
      %dma_start3A_53 = tpu.memref_slice %arg2[%dma_start3A_51, %dma_start3A_52] : memref<10240x128xf32, #tpu.memory_space<hbm>> -> memref<10240x128xf32, #tpu.memory_space<hbm>>
      tpu.enqueue_indirect_dma source(%dma_start3A_53 : memref<10240x128xf32, #tpu.memory_space<hbm>>) target(%arg10 : memref<128x128xf32, #tpu.memory_space<vmem>>) offsets(%dma_start3A_50 : memref<128xi32, #tpu.memory_space<vmem>>) semaphore(%arg12 : memref<!tpu.dma_semaphore, #tpu.memory_space<semaphore_mem>>)
      %scan3A = arith.constant 0 : i32
      %scan3A_54 = arith.constant 20 : i32
      %scan3A_55 = arith.addi %scan3A, %scan3A_54 : i32
      %scan3A_56 = arith.constant 1 : i32
      scf.for %scan3A_58 = %scan3A to %scan3A_55 step %scan3A_56  : i32 {
        %mul3A_59 = arith.constant 2 : i32
        %mul3A_60 = arith.muli %scan3A_58, %mul3A_59 : i32
        %add3A_61 = arith.constant 0 : i32
        %add3A_62 = arith.addi %add3A_61, %mul3A_60 : i32
        %add3A_63 = arith.constant 0 : i32
        %add3A_64 = arith.addi %add3A_62, %add3A_63 : i32
        %dma_wait3A = arith.constant 0 : i32
        %dma_wait3A_65 = tpu.memref_slice %arg7[%add3A_64, %dma_wait3A] : memref<40x128xi32, #tpu.memory_space<vmem>> -> memref<1x128xi32, #tpu.memory_space<vmem>>
        %dma_wait3A_66 = tpu.memref_squeeze %dma_wait3A_65 : memref<1x128xi32, #tpu.memory_space<vmem>> -> memref<128xi32, #tpu.memory_space<vmem>>
        %dma_wait3A_67 = arith.constant 0 : i32
        %dma_wait3A_68 = arith.constant 0 : i32
        %dma_wait3A_69 = tpu.memref_slice %arg2[%dma_wait3A_67, %dma_wait3A_68] : memref<10240x128xf32, #tpu.memory_space<hbm>> -> memref<10240x128xf32, #tpu.memory_space<hbm>>
        tpu.wait_indirect_dma semaphore(%arg11 : memref<!tpu.dma_semaphore, #tpu.memory_space<semaphore_mem>>) src(%dma_wait3A_69 : memref<10240x128xf32, #tpu.memory_space<hbm>>) dst(%arg9 : memref<128x128xf32, #tpu.memory_space<vmem>>)
        %add3A_70 = arith.constant 0 : i32
        %add3A_71 = arith.addi %add3A_62, %add3A_70 : i32
        %dma_start3A_72 = arith.constant 0 : i32
        %dma_start3A_73 = tpu.memref_slice %arg8[%add3A_71, %dma_start3A_72] : memref<40x128xi32, #tpu.memory_space<vmem>> -> memref<1x128xi32, #tpu.memory_space<vmem>>
        %dma_start3A_74 = tpu.memref_squeeze %dma_start3A_73 : memref<1x128xi32, #tpu.memory_space<vmem>> -> memref<128xi32, #tpu.memory_space<vmem>>
        %dma_start3A_75 = arith.constant 0 : i32
        %dma_start3A_76 = arith.constant 0 : i32
        %dma_start3A_77 = tpu.memref_slice %arg15[%dma_start3A_75, %dma_start3A_76] : memref<10240x128xf32, #tpu.memory_space<vmem_shared>> -> memref<10240x128xf32, #tpu.memory_space<vmem_shared>>
        tpu.enqueue_indirect_dma source(%arg9 : memref<128x128xf32, #tpu.memory_space<vmem>>) target(%dma_start3A_77 : memref<10240x128xf32, #tpu.memory_space<vmem_shared>>) offsets(%dma_start3A_74 : memref<128xi32, #tpu.memory_space<vmem>>) semaphore(%arg13 : memref<!tpu.dma_semaphore, #tpu.memory_space<semaphore_mem>>) {add = true}
        %add3A_78 = arith.constant 1 : i32
        %add3A_79 = arith.addi %add3A_62, %add3A_78 : i32
        %dma_wait3A_80 = arith.constant 0 : i32
        %dma_wait3A_81 = tpu.memref_slice %arg7[%add3A_79, %dma_wait3A_80] : memref<40x128xi32, #tpu.memory_space<vmem>> -> memref<1x128xi32, #tpu.memory_space<vmem>>
        %dma_wait3A_82 = tpu.memref_squeeze %dma_wait3A_81 : memref<1x128xi32, #tpu.memory_space<vmem>> -> memref<128xi32, #tpu.memory_space<vmem>>
        %dma_wait3A_83 = arith.constant 0 : i32
        %dma_wait3A_84 = arith.constant 0 : i32
        %dma_wait3A_85 = tpu.memref_slice %arg2[%dma_wait3A_83, %dma_wait3A_84] : memref<10240x128xf32, #tpu.memory_space<hbm>> -> memref<10240x128xf32, #tpu.memory_space<hbm>>
        tpu.wait_indirect_dma semaphore(%arg12 : memref<!tpu.dma_semaphore, #tpu.memory_space<semaphore_mem>>) src(%dma_wait3A_85 : memref<10240x128xf32, #tpu.memory_space<hbm>>) dst(%arg10 : memref<128x128xf32, #tpu.memory_space<vmem>>)
        %add3A_86 = arith.constant 1 : i32
        %add3A_87 = arith.addi %add3A_62, %add3A_86 : i32
        %dma_start3A_88 = arith.constant 0 : i32
        %dma_start3A_89 = tpu.memref_slice %arg8[%add3A_87, %dma_start3A_88] : memref<40x128xi32, #tpu.memory_space<vmem>> -> memref<1x128xi32, #tpu.memory_space<vmem>>
        %dma_start3A_90 = tpu.memref_squeeze %dma_start3A_89 : memref<1x128xi32, #tpu.memory_space<vmem>> -> memref<128xi32, #tpu.memory_space<vmem>>
        %dma_start3A_91 = arith.constant 0 : i32
        %dma_start3A_92 = arith.constant 0 : i32
        %dma_start3A_93 = tpu.memref_slice %arg15[%dma_start3A_91, %dma_start3A_92] : memref<10240x128xf32, #tpu.memory_space<vmem_shared>> -> memref<10240x128xf32, #tpu.memory_space<vmem_shared>>
        tpu.enqueue_indirect_dma source(%arg10 : memref<128x128xf32, #tpu.memory_space<vmem>>) target(%dma_start3A_93 : memref<10240x128xf32, #tpu.memory_space<vmem_shared>>) offsets(%dma_start3A_90 : memref<128xi32, #tpu.memory_space<vmem>>) semaphore(%arg14 : memref<!tpu.dma_semaphore, #tpu.memory_space<semaphore_mem>>) {add = true}
        %dma_wait3A_94 = arith.constant 0 : i32
        %dma_wait3A_95 = tpu.memref_slice %arg8[%add3A_71, %dma_wait3A_94] : memref<40x128xi32, #tpu.memory_space<vmem>> -> memref<1x128xi32, #tpu.memory_space<vmem>>
        %dma_wait3A_96 = tpu.memref_squeeze %dma_wait3A_95 : memref<1x128xi32, #tpu.memory_space<vmem>> -> memref<128xi32, #tpu.memory_space<vmem>>
        %dma_wait3A_97 = arith.constant 0 : i32
        %dma_wait3A_98 = arith.constant 0 : i32
        %dma_wait3A_99 = tpu.memref_slice %arg15[%dma_wait3A_97, %dma_wait3A_98] : memref<10240x128xf32, #tpu.memory_space<vmem_shared>> -> memref<10240x128xf32, #tpu.memory_space<vmem_shared>>
        tpu.wait_indirect_dma semaphore(%arg13 : memref<!tpu.dma_semaphore, #tpu.memory_space<semaphore_mem>>) src(%arg9 : memref<128x128xf32, #tpu.memory_space<vmem>>) dst(%dma_wait3A_99 : memref<10240x128xf32, #tpu.memory_space<vmem_shared>>)
        %add3A_100 = arith.constant 2 : i32
        %add3A_101 = arith.addi %add3A_62, %add3A_100 : i32
        %add3A_102 = arith.constant 0 : i32
        %add3A_103 = arith.addi %add3A_101, %add3A_102 : i32
        %lt3A = arith.constant 40 : i32
        %lt3A_104 = arith.cmpi slt, %add3A_103, %lt3A : i32
        %convert_element_type3A = arith.extui %lt3A_104 : i1 to i32
        %cond3A = arith.constant 0 : i32
        %cond3A_105 = arith.cmpi ne, %convert_element_type3A, %cond3A : i32
        scf.if %cond3A_105 {
          %add3A_121 = arith.constant 2 : i32
          %add3A_122 = arith.addi %add3A_62, %add3A_121 : i32
          %add3A_123 = arith.constant 0 : i32
          %add3A_124 = arith.addi %add3A_122, %add3A_123 : i32
          %dma_start3A_125 = arith.constant 0 : i32
          %dma_start3A_126 = tpu.memref_slice %arg7[%add3A_124, %dma_start3A_125] : memref<40x128xi32, #tpu.memory_space<vmem>> -> memref<1x128xi32, #tpu.memory_space<vmem>>
          %dma_start3A_127 = tpu.memref_squeeze %dma_start3A_126 : memref<1x128xi32, #tpu.memory_space<vmem>> -> memref<128xi32, #tpu.memory_space<vmem>>
          %dma_start3A_128 = arith.constant 0 : i32
          %dma_start3A_129 = arith.constant 0 : i32
          %dma_start3A_130 = tpu.memref_slice %arg2[%dma_start3A_128, %dma_start3A_129] : memref<10240x128xf32, #tpu.memory_space<hbm>> -> memref<10240x128xf32, #tpu.memory_space<hbm>>
          tpu.enqueue_indirect_dma source(%dma_start3A_130 : memref<10240x128xf32, #tpu.memory_space<hbm>>) target(%arg9 : memref<128x128xf32, #tpu.memory_space<vmem>>) offsets(%dma_start3A_127 : memref<128xi32, #tpu.memory_space<vmem>>) semaphore(%arg11 : memref<!tpu.dma_semaphore, #tpu.memory_space<semaphore_mem>>)
        } else {
        }
        %dma_wait3A_106 = arith.constant 0 : i32
        %dma_wait3A_107 = tpu.memref_slice %arg8[%add3A_87, %dma_wait3A_106] : memref<40x128xi32, #tpu.memory_space<vmem>> -> memref<1x128xi32, #tpu.memory_space<vmem>>
        %dma_wait3A_108 = tpu.memref_squeeze %dma_wait3A_107 : memref<1x128xi32, #tpu.memory_space<vmem>> -> memref<128xi32, #tpu.memory_space<vmem>>
        %dma_wait3A_109 = arith.constant 0 : i32
        %dma_wait3A_110 = arith.constant 0 : i32
        %dma_wait3A_111 = tpu.memref_slice %arg15[%dma_wait3A_109, %dma_wait3A_110] : memref<10240x128xf32, #tpu.memory_space<vmem_shared>> -> memref<10240x128xf32, #tpu.memory_space<vmem_shared>>
        tpu.wait_indirect_dma semaphore(%arg14 : memref<!tpu.dma_semaphore, #tpu.memory_space<semaphore_mem>>) src(%arg10 : memref<128x128xf32, #tpu.memory_space<vmem>>) dst(%dma_wait3A_111 : memref<10240x128xf32, #tpu.memory_space<vmem_shared>>)
        %add3A_112 = arith.constant 2 : i32
        %add3A_113 = arith.addi %add3A_62, %add3A_112 : i32
        %add3A_114 = arith.constant 1 : i32
        %add3A_115 = arith.addi %add3A_113, %add3A_114 : i32
        %lt3A_116 = arith.constant 40 : i32
        %lt3A_117 = arith.cmpi slt, %add3A_115, %lt3A_116 : i32
        %convert_element_type3A_118 = arith.extui %lt3A_117 : i1 to i32
        %cond3A_119 = arith.constant 0 : i32
        %cond3A_120 = arith.cmpi ne, %convert_element_type3A_118, %cond3A_119 : i32
        scf.if %cond3A_120 {
          %add3A_121 = arith.constant 2 : i32
          %add3A_122 = arith.addi %add3A_62, %add3A_121 : i32
          %add3A_123 = arith.constant 1 : i32
          %add3A_124 = arith.addi %add3A_122, %add3A_123 : i32
          %dma_start3A_125 = arith.constant 0 : i32
          %dma_start3A_126 = tpu.memref_slice %arg7[%add3A_124, %dma_start3A_125] : memref<40x128xi32, #tpu.memory_space<vmem>> -> memref<1x128xi32, #tpu.memory_space<vmem>>
          %dma_start3A_127 = tpu.memref_squeeze %dma_start3A_126 : memref<1x128xi32, #tpu.memory_space<vmem>> -> memref<128xi32, #tpu.memory_space<vmem>>
          %dma_start3A_128 = arith.constant 0 : i32
          %dma_start3A_129 = arith.constant 0 : i32
          %dma_start3A_130 = tpu.memref_slice %arg2[%dma_start3A_128, %dma_start3A_129] : memref<10240x128xf32, #tpu.memory_space<hbm>> -> memref<10240x128xf32, #tpu.memory_space<hbm>>
          tpu.enqueue_indirect_dma source(%dma_start3A_130 : memref<10240x128xf32, #tpu.memory_space<hbm>>) target(%arg10 : memref<128x128xf32, #tpu.memory_space<vmem>>) offsets(%dma_start3A_127 : memref<128xi32, #tpu.memory_space<vmem>>) semaphore(%arg12 : memref<!tpu.dma_semaphore, #tpu.memory_space<semaphore_mem>>)
        } else {
        }
      }
      %scan3A_57 = arith.constant 20 : i32
    }
    %barrier3A_27 = arith.constant 0 : index
    tpu.barrier barrier_id(%barrier3A_27)
    %mul3A_28 = arith.constant 320 : i32
    %mul3A_29 = arith.muli %arg1, %mul3A_28 : i32
    %mul3A_30 = arith.constant 10240 : i32
    %mul3A_31 = arith.muli %arg0, %mul3A_30 : i32
    %mul3A_32 = arith.constant 320 : i32
    %mul3A_33 = arith.muli %arg1, %mul3A_32 : i32
    %add3A_34 = arith.addi %mul3A_31, %mul3A_33 : i32
    "tpu.region"() ({
      %run_scoped3A = tpu.sem_alloc : memref<!tpu.dma_semaphore, #tpu.memory_space<semaphore_mem>>
      %dma_start3A = arith.constant 0 : i32
      %dma_start3A_35 = tpu.memref_slice %arg6[%add3A_34, %dma_start3A] : memref<20480x128xf32, #tpu.memory_space<hbm>> -> memref<320x128xf32, #tpu.memory_space<hbm>>
      %dma_start3A_36 = arith.constant 0 : i32
      %dma_start3A_37 = tpu.memref_slice %arg15[%mul3A_29, %dma_start3A_36] : memref<10240x128xf32, #tpu.memory_space<vmem_shared>> -> memref<320x128xf32, #tpu.memory_space<vmem_shared>>
      tpu.enqueue_dma source(%dma_start3A_37 : memref<320x128xf32, #tpu.memory_space<vmem_shared>>) target(%dma_start3A_35 : memref<320x128xf32, #tpu.memory_space<hbm>>) target_semaphore(%run_scoped3A : memref<!tpu.dma_semaphore, #tpu.memory_space<semaphore_mem>>)
      %dma_wait3A = arith.constant 0 : i32
      %dma_wait3A_38 = tpu.memref_slice %arg6[%add3A_34, %dma_wait3A] : memref<20480x128xf32, #tpu.memory_space<hbm>> -> memref<320x128xf32, #tpu.memory_space<hbm>>
      %dma_wait3A_39 = arith.constant 0 : i32
      %dma_wait3A_40 = tpu.memref_slice %arg15[%mul3A_29, %dma_wait3A_39] : memref<10240x128xf32, #tpu.memory_space<vmem_shared>> -> memref<320x128xf32, #tpu.memory_space<vmem_shared>>
      tpu.wait_dma2 semaphore(%run_scoped3A : memref<!tpu.dma_semaphore, #tpu.memory_space<semaphore_mem>>) src(%dma_wait3A_40 : memref<320x128xf32, #tpu.memory_space<vmem_shared>>) dst(%dma_wait3A_38 : memref<320x128xf32, #tpu.memory_space<hbm>>)
      tpu.yield
    }) : () -> ()
    return
  }
}

#map = affine_map<(d0, d1) -> (0, 0)>
module attributes {stable_mosaic.version = 14 : i64} {
  func.func @_sc_degree(%arg0: i32, %arg1: i32, %arg2: memref<2560x128xi32, #tpu.memory_space<hbm>>, %arg3: memref<128x16xf32, #tpu.memory_space<hbm>>, %arg4: memref<320x16xf32, #tpu.memory_space<hbm>>, %arg5: memref<20480x16xf32, #tpu.memory_space<hbm>>, %arg6: memref<80x128xi32, #tpu.memory_space<vmem>>, %arg7: memref<128x16xf32, #tpu.memory_space<vmem>>, %arg8: memref<10240x16xf32, #tpu.memory_space<vmem_shared>>, %arg9: memref<!tpu.dma_semaphore, #tpu.memory_space<semaphore_mem>>) attributes {dimension_semantics = [#tpu.dimension_semantics<core_parallel>, #tpu.dimension_semantics<subcore_parallel>], iteration_bounds = array<i64: 2, 16>, scalar_prefetch = 0 : i64, scratch_operands = 4 : i64, tpu.core_type = #tpu.core_type<sc_vector_subcore>, window_params = [{transform_indices = #map}, {transform_indices = #map}, {transform_indices = #map}, {transform_indices = #map}]} {
    %mul3A = arith.constant 16 : i32
    %mul3A_0 = arith.muli %arg0, %mul3A : i32
    %add3A = arith.addi %mul3A_0, %arg1 : i32
    "tpu.region"() ({
      %run_scoped3A = tpu.sem_alloc : memref<!tpu.dma_semaphore, #tpu.memory_space<semaphore_mem>>
      tpu.enqueue_dma source(%arg3 : memref<128x16xf32, #tpu.memory_space<hbm>>) target(%arg7 : memref<128x16xf32, #tpu.memory_space<vmem>>) target_semaphore(%run_scoped3A : memref<!tpu.dma_semaphore, #tpu.memory_space<semaphore_mem>>)
      tpu.wait_dma2 semaphore(%run_scoped3A : memref<!tpu.dma_semaphore, #tpu.memory_space<semaphore_mem>>) src(%arg3 : memref<128x16xf32, #tpu.memory_space<hbm>>) dst(%arg7 : memref<128x16xf32, #tpu.memory_space<vmem>>)
      tpu.yield
    }) : () -> ()
    %mul3A_1 = arith.constant 320 : i32
    %mul3A_2 = arith.muli %arg1, %mul3A_1 : i32
    "tpu.region"() ({
      %run_scoped3A = tpu.sem_alloc : memref<!tpu.dma_semaphore, #tpu.memory_space<semaphore_mem>>
      %dma_start3A = arith.constant 0 : i32
      %dma_start3A_17 = tpu.memref_slice %arg8[%mul3A_2, %dma_start3A] : memref<10240x16xf32, #tpu.memory_space<vmem_shared>> -> memref<320x16xf32, #tpu.memory_space<vmem_shared>>
      tpu.enqueue_dma source(%arg4 : memref<320x16xf32, #tpu.memory_space<hbm>>) target(%dma_start3A_17 : memref<320x16xf32, #tpu.memory_space<vmem_shared>>) target_semaphore(%run_scoped3A : memref<!tpu.dma_semaphore, #tpu.memory_space<semaphore_mem>>)
      %dma_wait3A = arith.constant 0 : i32
      %dma_wait3A_18 = tpu.memref_slice %arg8[%mul3A_2, %dma_wait3A] : memref<10240x16xf32, #tpu.memory_space<vmem_shared>> -> memref<320x16xf32, #tpu.memory_space<vmem_shared>>
      tpu.wait_dma2 semaphore(%run_scoped3A : memref<!tpu.dma_semaphore, #tpu.memory_space<semaphore_mem>>) src(%arg4 : memref<320x16xf32, #tpu.memory_space<hbm>>) dst(%dma_wait3A_18 : memref<320x16xf32, #tpu.memory_space<vmem_shared>>)
      tpu.yield
    }) : () -> ()
    %mul3A_3 = arith.constant 80 : i32
    %mul3A_4 = arith.muli %add3A, %mul3A_3 : i32
    "tpu.region"() ({
      %run_scoped3A = tpu.sem_alloc : memref<!tpu.dma_semaphore, #tpu.memory_space<semaphore_mem>>
      %dma_start3A = arith.constant 0 : i32
      %dma_start3A_17 = tpu.memref_slice %arg2[%mul3A_4, %dma_start3A] : memref<2560x128xi32, #tpu.memory_space<hbm>> -> memref<80x128xi32, #tpu.memory_space<hbm>>
      %dma_start3A_18 = arith.constant 0 : i32
      %dma_start3A_19 = tpu.memref_slice %arg2[%mul3A_4, %dma_start3A_18] : memref<2560x128xi32, #tpu.memory_space<hbm>> -> memref<80x128xi32, #tpu.memory_space<hbm>>
      tpu.enqueue_dma source(%dma_start3A_19 : memref<80x128xi32, #tpu.memory_space<hbm>>) target(%arg6 : memref<80x128xi32, #tpu.memory_space<vmem>>) target_semaphore(%run_scoped3A : memref<!tpu.dma_semaphore, #tpu.memory_space<semaphore_mem>>)
      %dma_wait3A = arith.constant 0 : i32
      %dma_wait3A_20 = tpu.memref_slice %arg2[%mul3A_4, %dma_wait3A] : memref<2560x128xi32, #tpu.memory_space<hbm>> -> memref<80x128xi32, #tpu.memory_space<hbm>>
      %dma_wait3A_21 = arith.constant 0 : i32
      %dma_wait3A_22 = tpu.memref_slice %arg2[%mul3A_4, %dma_wait3A_21] : memref<2560x128xi32, #tpu.memory_space<hbm>> -> memref<80x128xi32, #tpu.memory_space<hbm>>
      tpu.wait_dma2 semaphore(%run_scoped3A : memref<!tpu.dma_semaphore, #tpu.memory_space<semaphore_mem>>) src(%dma_wait3A_22 : memref<80x128xi32, #tpu.memory_space<hbm>>) dst(%arg6 : memref<80x128xi32, #tpu.memory_space<vmem>>)
      tpu.yield
    }) : () -> ()
    %barrier3A = arith.constant 0 : index
    tpu.barrier barrier_id(%barrier3A)
    %scan3A = arith.constant 0 : i32
    %scan3A_5 = arith.constant 10 : i32
    %scan3A_6 = arith.addi %scan3A, %scan3A_5 : i32
    %scan3A_7 = arith.constant 1 : i32
    scf.for %scan3A_17 = %scan3A to %scan3A_6 step %scan3A_7  : i32 {
      %mul3A_18 = arith.constant 8 : i32
      %mul3A_19 = arith.muli %scan3A_17, %mul3A_18 : i32
      %add3A_20 = arith.constant 0 : i32
      %add3A_21 = arith.addi %add3A_20, %mul3A_19 : i32
      %add3A_22 = arith.constant 0 : i32
      %add3A_23 = arith.addi %add3A_21, %add3A_22 : i32
      %dma_start3A = arith.constant 0 : i32
      %dma_start3A_24 = tpu.memref_slice %arg6[%add3A_23, %dma_start3A] : memref<80x128xi32, #tpu.memory_space<vmem>> -> memref<1x128xi32, #tpu.memory_space<vmem>>
      %dma_start3A_25 = tpu.memref_squeeze %dma_start3A_24 : memref<1x128xi32, #tpu.memory_space<vmem>> -> memref<128xi32, #tpu.memory_space<vmem>>
      %dma_start3A_26 = arith.constant 0 : i32
      %dma_start3A_27 = arith.constant 0 : i32
      %dma_start3A_28 = tpu.memref_slice %arg8[%dma_start3A_26, %dma_start3A_27] : memref<10240x16xf32, #tpu.memory_space<vmem_shared>> -> memref<10240x16xf32, #tpu.memory_space<vmem_shared>>
      tpu.enqueue_indirect_dma source(%arg7 : memref<128x16xf32, #tpu.memory_space<vmem>>) target(%dma_start3A_28 : memref<10240x16xf32, #tpu.memory_space<vmem_shared>>) offsets(%dma_start3A_25 : memref<128xi32, #tpu.memory_space<vmem>>) semaphore(%arg9 : memref<!tpu.dma_semaphore, #tpu.memory_space<semaphore_mem>>) {add = true}
      %add3A_29 = arith.constant 1 : i32
      %add3A_30 = arith.addi %add3A_21, %add3A_29 : i32
      %dma_start3A_31 = arith.constant 0 : i32
      %dma_start3A_32 = tpu.memref_slice %arg6[%add3A_30, %dma_start3A_31] : memref<80x128xi32, #tpu.memory_space<vmem>> -> memref<1x128xi32, #tpu.memory_space<vmem>>
      %dma_start3A_33 = tpu.memref_squeeze %dma_start3A_32 : memref<1x128xi32, #tpu.memory_space<vmem>> -> memref<128xi32, #tpu.memory_space<vmem>>
      %dma_start3A_34 = arith.constant 0 : i32
      %dma_start3A_35 = arith.constant 0 : i32
      %dma_start3A_36 = tpu.memref_slice %arg8[%dma_start3A_34, %dma_start3A_35] : memref<10240x16xf32, #tpu.memory_space<vmem_shared>> -> memref<10240x16xf32, #tpu.memory_space<vmem_shared>>
      tpu.enqueue_indirect_dma source(%arg7 : memref<128x16xf32, #tpu.memory_space<vmem>>) target(%dma_start3A_36 : memref<10240x16xf32, #tpu.memory_space<vmem_shared>>) offsets(%dma_start3A_33 : memref<128xi32, #tpu.memory_space<vmem>>) semaphore(%arg9 : memref<!tpu.dma_semaphore, #tpu.memory_space<semaphore_mem>>) {add = true}
      %add3A_37 = arith.constant 2 : i32
      %add3A_38 = arith.addi %add3A_21, %add3A_37 : i32
      %dma_start3A_39 = arith.constant 0 : i32
      %dma_start3A_40 = tpu.memref_slice %arg6[%add3A_38, %dma_start3A_39] : memref<80x128xi32, #tpu.memory_space<vmem>> -> memref<1x128xi32, #tpu.memory_space<vmem>>
      %dma_start3A_41 = tpu.memref_squeeze %dma_start3A_40 : memref<1x128xi32, #tpu.memory_space<vmem>> -> memref<128xi32, #tpu.memory_space<vmem>>
      %dma_start3A_42 = arith.constant 0 : i32
      %dma_start3A_43 = arith.constant 0 : i32
      %dma_start3A_44 = tpu.memref_slice %arg8[%dma_start3A_42, %dma_start3A_43] : memref<10240x16xf32, #tpu.memory_space<vmem_shared>> -> memref<10240x16xf32, #tpu.memory_space<vmem_shared>>
      tpu.enqueue_indirect_dma source(%arg7 : memref<128x16xf32, #tpu.memory_space<vmem>>) target(%dma_start3A_44 : memref<10240x16xf32, #tpu.memory_space<vmem_shared>>) offsets(%dma_start3A_41 : memref<128xi32, #tpu.memory_space<vmem>>) semaphore(%arg9 : memref<!tpu.dma_semaphore, #tpu.memory_space<semaphore_mem>>) {add = true}
      %add3A_45 = arith.constant 3 : i32
      %add3A_46 = arith.addi %add3A_21, %add3A_45 : i32
      %dma_start3A_47 = arith.constant 0 : i32
      %dma_start3A_48 = tpu.memref_slice %arg6[%add3A_46, %dma_start3A_47] : memref<80x128xi32, #tpu.memory_space<vmem>> -> memref<1x128xi32, #tpu.memory_space<vmem>>
      %dma_start3A_49 = tpu.memref_squeeze %dma_start3A_48 : memref<1x128xi32, #tpu.memory_space<vmem>> -> memref<128xi32, #tpu.memory_space<vmem>>
      %dma_start3A_50 = arith.constant 0 : i32
      %dma_start3A_51 = arith.constant 0 : i32
      %dma_start3A_52 = tpu.memref_slice %arg8[%dma_start3A_50, %dma_start3A_51] : memref<10240x16xf32, #tpu.memory_space<vmem_shared>> -> memref<10240x16xf32, #tpu.memory_space<vmem_shared>>
      tpu.enqueue_indirect_dma source(%arg7 : memref<128x16xf32, #tpu.memory_space<vmem>>) target(%dma_start3A_52 : memref<10240x16xf32, #tpu.memory_space<vmem_shared>>) offsets(%dma_start3A_49 : memref<128xi32, #tpu.memory_space<vmem>>) semaphore(%arg9 : memref<!tpu.dma_semaphore, #tpu.memory_space<semaphore_mem>>) {add = true}
      %add3A_53 = arith.constant 4 : i32
      %add3A_54 = arith.addi %add3A_21, %add3A_53 : i32
      %dma_start3A_55 = arith.constant 0 : i32
      %dma_start3A_56 = tpu.memref_slice %arg6[%add3A_54, %dma_start3A_55] : memref<80x128xi32, #tpu.memory_space<vmem>> -> memref<1x128xi32, #tpu.memory_space<vmem>>
      %dma_start3A_57 = tpu.memref_squeeze %dma_start3A_56 : memref<1x128xi32, #tpu.memory_space<vmem>> -> memref<128xi32, #tpu.memory_space<vmem>>
      %dma_start3A_58 = arith.constant 0 : i32
      %dma_start3A_59 = arith.constant 0 : i32
      %dma_start3A_60 = tpu.memref_slice %arg8[%dma_start3A_58, %dma_start3A_59] : memref<10240x16xf32, #tpu.memory_space<vmem_shared>> -> memref<10240x16xf32, #tpu.memory_space<vmem_shared>>
      tpu.enqueue_indirect_dma source(%arg7 : memref<128x16xf32, #tpu.memory_space<vmem>>) target(%dma_start3A_60 : memref<10240x16xf32, #tpu.memory_space<vmem_shared>>) offsets(%dma_start3A_57 : memref<128xi32, #tpu.memory_space<vmem>>) semaphore(%arg9 : memref<!tpu.dma_semaphore, #tpu.memory_space<semaphore_mem>>) {add = true}
      %add3A_61 = arith.constant 5 : i32
      %add3A_62 = arith.addi %add3A_21, %add3A_61 : i32
      %dma_start3A_63 = arith.constant 0 : i32
      %dma_start3A_64 = tpu.memref_slice %arg6[%add3A_62, %dma_start3A_63] : memref<80x128xi32, #tpu.memory_space<vmem>> -> memref<1x128xi32, #tpu.memory_space<vmem>>
      %dma_start3A_65 = tpu.memref_squeeze %dma_start3A_64 : memref<1x128xi32, #tpu.memory_space<vmem>> -> memref<128xi32, #tpu.memory_space<vmem>>
      %dma_start3A_66 = arith.constant 0 : i32
      %dma_start3A_67 = arith.constant 0 : i32
      %dma_start3A_68 = tpu.memref_slice %arg8[%dma_start3A_66, %dma_start3A_67] : memref<10240x16xf32, #tpu.memory_space<vmem_shared>> -> memref<10240x16xf32, #tpu.memory_space<vmem_shared>>
      tpu.enqueue_indirect_dma source(%arg7 : memref<128x16xf32, #tpu.memory_space<vmem>>) target(%dma_start3A_68 : memref<10240x16xf32, #tpu.memory_space<vmem_shared>>) offsets(%dma_start3A_65 : memref<128xi32, #tpu.memory_space<vmem>>) semaphore(%arg9 : memref<!tpu.dma_semaphore, #tpu.memory_space<semaphore_mem>>) {add = true}
      %add3A_69 = arith.constant 6 : i32
      %add3A_70 = arith.addi %add3A_21, %add3A_69 : i32
      %dma_start3A_71 = arith.constant 0 : i32
      %dma_start3A_72 = tpu.memref_slice %arg6[%add3A_70, %dma_start3A_71] : memref<80x128xi32, #tpu.memory_space<vmem>> -> memref<1x128xi32, #tpu.memory_space<vmem>>
      %dma_start3A_73 = tpu.memref_squeeze %dma_start3A_72 : memref<1x128xi32, #tpu.memory_space<vmem>> -> memref<128xi32, #tpu.memory_space<vmem>>
      %dma_start3A_74 = arith.constant 0 : i32
      %dma_start3A_75 = arith.constant 0 : i32
      %dma_start3A_76 = tpu.memref_slice %arg8[%dma_start3A_74, %dma_start3A_75] : memref<10240x16xf32, #tpu.memory_space<vmem_shared>> -> memref<10240x16xf32, #tpu.memory_space<vmem_shared>>
      tpu.enqueue_indirect_dma source(%arg7 : memref<128x16xf32, #tpu.memory_space<vmem>>) target(%dma_start3A_76 : memref<10240x16xf32, #tpu.memory_space<vmem_shared>>) offsets(%dma_start3A_73 : memref<128xi32, #tpu.memory_space<vmem>>) semaphore(%arg9 : memref<!tpu.dma_semaphore, #tpu.memory_space<semaphore_mem>>) {add = true}
      %add3A_77 = arith.constant 7 : i32
      %add3A_78 = arith.addi %add3A_21, %add3A_77 : i32
      %dma_start3A_79 = arith.constant 0 : i32
      %dma_start3A_80 = tpu.memref_slice %arg6[%add3A_78, %dma_start3A_79] : memref<80x128xi32, #tpu.memory_space<vmem>> -> memref<1x128xi32, #tpu.memory_space<vmem>>
      %dma_start3A_81 = tpu.memref_squeeze %dma_start3A_80 : memref<1x128xi32, #tpu.memory_space<vmem>> -> memref<128xi32, #tpu.memory_space<vmem>>
      %dma_start3A_82 = arith.constant 0 : i32
      %dma_start3A_83 = arith.constant 0 : i32
      %dma_start3A_84 = tpu.memref_slice %arg8[%dma_start3A_82, %dma_start3A_83] : memref<10240x16xf32, #tpu.memory_space<vmem_shared>> -> memref<10240x16xf32, #tpu.memory_space<vmem_shared>>
      tpu.enqueue_indirect_dma source(%arg7 : memref<128x16xf32, #tpu.memory_space<vmem>>) target(%dma_start3A_84 : memref<10240x16xf32, #tpu.memory_space<vmem_shared>>) offsets(%dma_start3A_81 : memref<128xi32, #tpu.memory_space<vmem>>) semaphore(%arg9 : memref<!tpu.dma_semaphore, #tpu.memory_space<semaphore_mem>>) {add = true}
      %add3A_85 = arith.constant 0 : i32
      %add3A_86 = arith.addi %add3A_21, %add3A_85 : i32
      %dma_wait3A = arith.constant 0 : i32
      %dma_wait3A_87 = tpu.memref_slice %arg6[%add3A_86, %dma_wait3A] : memref<80x128xi32, #tpu.memory_space<vmem>> -> memref<1x128xi32, #tpu.memory_space<vmem>>
      %dma_wait3A_88 = tpu.memref_squeeze %dma_wait3A_87 : memref<1x128xi32, #tpu.memory_space<vmem>> -> memref<128xi32, #tpu.memory_space<vmem>>
      %dma_wait3A_89 = arith.constant 0 : i32
      %dma_wait3A_90 = arith.constant 0 : i32
      %dma_wait3A_91 = tpu.memref_slice %arg8[%dma_wait3A_89, %dma_wait3A_90] : memref<10240x16xf32, #tpu.memory_space<vmem_shared>> -> memref<10240x16xf32, #tpu.memory_space<vmem_shared>>
      tpu.wait_indirect_dma semaphore(%arg9 : memref<!tpu.dma_semaphore, #tpu.memory_space<semaphore_mem>>) src(%arg7 : memref<128x16xf32, #tpu.memory_space<vmem>>) dst(%dma_wait3A_91 : memref<10240x16xf32, #tpu.memory_space<vmem_shared>>)
      %add3A_92 = arith.constant 1 : i32
      %add3A_93 = arith.addi %add3A_21, %add3A_92 : i32
      %dma_wait3A_94 = arith.constant 0 : i32
      %dma_wait3A_95 = tpu.memref_slice %arg6[%add3A_93, %dma_wait3A_94] : memref<80x128xi32, #tpu.memory_space<vmem>> -> memref<1x128xi32, #tpu.memory_space<vmem>>
      %dma_wait3A_96 = tpu.memref_squeeze %dma_wait3A_95 : memref<1x128xi32, #tpu.memory_space<vmem>> -> memref<128xi32, #tpu.memory_space<vmem>>
      %dma_wait3A_97 = arith.constant 0 : i32
      %dma_wait3A_98 = arith.constant 0 : i32
      %dma_wait3A_99 = tpu.memref_slice %arg8[%dma_wait3A_97, %dma_wait3A_98] : memref<10240x16xf32, #tpu.memory_space<vmem_shared>> -> memref<10240x16xf32, #tpu.memory_space<vmem_shared>>
      tpu.wait_indirect_dma semaphore(%arg9 : memref<!tpu.dma_semaphore, #tpu.memory_space<semaphore_mem>>) src(%arg7 : memref<128x16xf32, #tpu.memory_space<vmem>>) dst(%dma_wait3A_99 : memref<10240x16xf32, #tpu.memory_space<vmem_shared>>)
      %add3A_100 = arith.constant 2 : i32
      %add3A_101 = arith.addi %add3A_21, %add3A_100 : i32
      %dma_wait3A_102 = arith.constant 0 : i32
      %dma_wait3A_103 = tpu.memref_slice %arg6[%add3A_101, %dma_wait3A_102] : memref<80x128xi32, #tpu.memory_space<vmem>> -> memref<1x128xi32, #tpu.memory_space<vmem>>
      %dma_wait3A_104 = tpu.memref_squeeze %dma_wait3A_103 : memref<1x128xi32, #tpu.memory_space<vmem>> -> memref<128xi32, #tpu.memory_space<vmem>>
      %dma_wait3A_105 = arith.constant 0 : i32
      %dma_wait3A_106 = arith.constant 0 : i32
      %dma_wait3A_107 = tpu.memref_slice %arg8[%dma_wait3A_105, %dma_wait3A_106] : memref<10240x16xf32, #tpu.memory_space<vmem_shared>> -> memref<10240x16xf32, #tpu.memory_space<vmem_shared>>
      tpu.wait_indirect_dma semaphore(%arg9 : memref<!tpu.dma_semaphore, #tpu.memory_space<semaphore_mem>>) src(%arg7 : memref<128x16xf32, #tpu.memory_space<vmem>>) dst(%dma_wait3A_107 : memref<10240x16xf32, #tpu.memory_space<vmem_shared>>)
      %add3A_108 = arith.constant 3 : i32
      %add3A_109 = arith.addi %add3A_21, %add3A_108 : i32
      %dma_wait3A_110 = arith.constant 0 : i32
      %dma_wait3A_111 = tpu.memref_slice %arg6[%add3A_109, %dma_wait3A_110] : memref<80x128xi32, #tpu.memory_space<vmem>> -> memref<1x128xi32, #tpu.memory_space<vmem>>
      %dma_wait3A_112 = tpu.memref_squeeze %dma_wait3A_111 : memref<1x128xi32, #tpu.memory_space<vmem>> -> memref<128xi32, #tpu.memory_space<vmem>>
      %dma_wait3A_113 = arith.constant 0 : i32
      %dma_wait3A_114 = arith.constant 0 : i32
      %dma_wait3A_115 = tpu.memref_slice %arg8[%dma_wait3A_113, %dma_wait3A_114] : memref<10240x16xf32, #tpu.memory_space<vmem_shared>> -> memref<10240x16xf32, #tpu.memory_space<vmem_shared>>
      tpu.wait_indirect_dma semaphore(%arg9 : memref<!tpu.dma_semaphore, #tpu.memory_space<semaphore_mem>>) src(%arg7 : memref<128x16xf32, #tpu.memory_space<vmem>>) dst(%dma_wait3A_115 : memref<10240x16xf32, #tpu.memory_space<vmem_shared>>)
      %add3A_116 = arith.constant 4 : i32
      %add3A_117 = arith.addi %add3A_21, %add3A_116 : i32
      %dma_wait3A_118 = arith.constant 0 : i32
      %dma_wait3A_119 = tpu.memref_slice %arg6[%add3A_117, %dma_wait3A_118] : memref<80x128xi32, #tpu.memory_space<vmem>> -> memref<1x128xi32, #tpu.memory_space<vmem>>
      %dma_wait3A_120 = tpu.memref_squeeze %dma_wait3A_119 : memref<1x128xi32, #tpu.memory_space<vmem>> -> memref<128xi32, #tpu.memory_space<vmem>>
      %dma_wait3A_121 = arith.constant 0 : i32
      %dma_wait3A_122 = arith.constant 0 : i32
      %dma_wait3A_123 = tpu.memref_slice %arg8[%dma_wait3A_121, %dma_wait3A_122] : memref<10240x16xf32, #tpu.memory_space<vmem_shared>> -> memref<10240x16xf32, #tpu.memory_space<vmem_shared>>
      tpu.wait_indirect_dma semaphore(%arg9 : memref<!tpu.dma_semaphore, #tpu.memory_space<semaphore_mem>>) src(%arg7 : memref<128x16xf32, #tpu.memory_space<vmem>>) dst(%dma_wait3A_123 : memref<10240x16xf32, #tpu.memory_space<vmem_shared>>)
      %add3A_124 = arith.constant 5 : i32
      %add3A_125 = arith.addi %add3A_21, %add3A_124 : i32
      %dma_wait3A_126 = arith.constant 0 : i32
      %dma_wait3A_127 = tpu.memref_slice %arg6[%add3A_125, %dma_wait3A_126] : memref<80x128xi32, #tpu.memory_space<vmem>> -> memref<1x128xi32, #tpu.memory_space<vmem>>
      %dma_wait3A_128 = tpu.memref_squeeze %dma_wait3A_127 : memref<1x128xi32, #tpu.memory_space<vmem>> -> memref<128xi32, #tpu.memory_space<vmem>>
      %dma_wait3A_129 = arith.constant 0 : i32
      %dma_wait3A_130 = arith.constant 0 : i32
      %dma_wait3A_131 = tpu.memref_slice %arg8[%dma_wait3A_129, %dma_wait3A_130] : memref<10240x16xf32, #tpu.memory_space<vmem_shared>> -> memref<10240x16xf32, #tpu.memory_space<vmem_shared>>
      tpu.wait_indirect_dma semaphore(%arg9 : memref<!tpu.dma_semaphore, #tpu.memory_space<semaphore_mem>>) src(%arg7 : memref<128x16xf32, #tpu.memory_space<vmem>>) dst(%dma_wait3A_131 : memref<10240x16xf32, #tpu.memory_space<vmem_shared>>)
      %add3A_132 = arith.constant 6 : i32
      %add3A_133 = arith.addi %add3A_21, %add3A_132 : i32
      %dma_wait3A_134 = arith.constant 0 : i32
      %dma_wait3A_135 = tpu.memref_slice %arg6[%add3A_133, %dma_wait3A_134] : memref<80x128xi32, #tpu.memory_space<vmem>> -> memref<1x128xi32, #tpu.memory_space<vmem>>
      %dma_wait3A_136 = tpu.memref_squeeze %dma_wait3A_135 : memref<1x128xi32, #tpu.memory_space<vmem>> -> memref<128xi32, #tpu.memory_space<vmem>>
      %dma_wait3A_137 = arith.constant 0 : i32
      %dma_wait3A_138 = arith.constant 0 : i32
      %dma_wait3A_139 = tpu.memref_slice %arg8[%dma_wait3A_137, %dma_wait3A_138] : memref<10240x16xf32, #tpu.memory_space<vmem_shared>> -> memref<10240x16xf32, #tpu.memory_space<vmem_shared>>
      tpu.wait_indirect_dma semaphore(%arg9 : memref<!tpu.dma_semaphore, #tpu.memory_space<semaphore_mem>>) src(%arg7 : memref<128x16xf32, #tpu.memory_space<vmem>>) dst(%dma_wait3A_139 : memref<10240x16xf32, #tpu.memory_space<vmem_shared>>)
      %add3A_140 = arith.constant 7 : i32
      %add3A_141 = arith.addi %add3A_21, %add3A_140 : i32
      %dma_wait3A_142 = arith.constant 0 : i32
      %dma_wait3A_143 = tpu.memref_slice %arg6[%add3A_141, %dma_wait3A_142] : memref<80x128xi32, #tpu.memory_space<vmem>> -> memref<1x128xi32, #tpu.memory_space<vmem>>
      %dma_wait3A_144 = tpu.memref_squeeze %dma_wait3A_143 : memref<1x128xi32, #tpu.memory_space<vmem>> -> memref<128xi32, #tpu.memory_space<vmem>>
      %dma_wait3A_145 = arith.constant 0 : i32
      %dma_wait3A_146 = arith.constant 0 : i32
      %dma_wait3A_147 = tpu.memref_slice %arg8[%dma_wait3A_145, %dma_wait3A_146] : memref<10240x16xf32, #tpu.memory_space<vmem_shared>> -> memref<10240x16xf32, #tpu.memory_space<vmem_shared>>
      tpu.wait_indirect_dma semaphore(%arg9 : memref<!tpu.dma_semaphore, #tpu.memory_space<semaphore_mem>>) src(%arg7 : memref<128x16xf32, #tpu.memory_space<vmem>>) dst(%dma_wait3A_147 : memref<10240x16xf32, #tpu.memory_space<vmem_shared>>)
    }
    %scan3A_8 = arith.constant 10 : i32
    %barrier3A_9 = arith.constant 0 : index
    tpu.barrier barrier_id(%barrier3A_9)
    %mul3A_10 = arith.constant 320 : i32
    %mul3A_11 = arith.muli %arg1, %mul3A_10 : i32
    %mul3A_12 = arith.constant 10240 : i32
    %mul3A_13 = arith.muli %arg0, %mul3A_12 : i32
    %mul3A_14 = arith.constant 320 : i32
    %mul3A_15 = arith.muli %arg1, %mul3A_14 : i32
    %add3A_16 = arith.addi %mul3A_13, %mul3A_15 : i32
    "tpu.region"() ({
      %run_scoped3A = tpu.sem_alloc : memref<!tpu.dma_semaphore, #tpu.memory_space<semaphore_mem>>
      %dma_start3A = arith.constant 0 : i32
      %dma_start3A_17 = tpu.memref_slice %arg5[%add3A_16, %dma_start3A] : memref<20480x16xf32, #tpu.memory_space<hbm>> -> memref<320x16xf32, #tpu.memory_space<hbm>>
      %dma_start3A_18 = arith.constant 0 : i32
      %dma_start3A_19 = tpu.memref_slice %arg8[%mul3A_11, %dma_start3A_18] : memref<10240x16xf32, #tpu.memory_space<vmem_shared>> -> memref<320x16xf32, #tpu.memory_space<vmem_shared>>
      tpu.enqueue_dma source(%dma_start3A_19 : memref<320x16xf32, #tpu.memory_space<vmem_shared>>) target(%dma_start3A_17 : memref<320x16xf32, #tpu.memory_space<hbm>>) target_semaphore(%run_scoped3A : memref<!tpu.dma_semaphore, #tpu.memory_space<semaphore_mem>>)
      %dma_wait3A = arith.constant 0 : i32
      %dma_wait3A_20 = tpu.memref_slice %arg5[%add3A_16, %dma_wait3A] : memref<20480x16xf32, #tpu.memory_space<hbm>> -> memref<320x16xf32, #tpu.memory_space<hbm>>
      %dma_wait3A_21 = arith.constant 0 : i32
      %dma_wait3A_22 = tpu.memref_slice %arg8[%mul3A_11, %dma_wait3A_21] : memref<10240x16xf32, #tpu.memory_space<vmem_shared>> -> memref<320x16xf32, #tpu.memory_space<vmem_shared>>
      tpu.wait_dma2 semaphore(%run_scoped3A : memref<!tpu.dma_semaphore, #tpu.memory_space<semaphore_mem>>) src(%dma_wait3A_22 : memref<320x16xf32, #tpu.memory_space<vmem_shared>>) dst(%dma_wait3A_20 : memref<320x16xf32, #tpu.memory_space<hbm>>)
      tpu.yield
    }) : () -> ()
    return
  }
}

module attributes {stable_mosaic.version = 14 : i64} {
  func.func @_tc_matmul_block(%arg0: i32, %arg1: memref<256x128xf32, #tpu.memory_space<vmem>>, %arg2: memref<128x128xf32, #tpu.memory_space<vmem>>, %arg3: memref<256x128xf32, #tpu.memory_space<vmem>>) attributes {dimension_semantics = [#tpu.dimension_semantics<arbitrary>], iteration_bounds = array<i64: 40>, scalar_prefetch = 0 : i64, scratch_operands = 0 : i64, tpu.core_type = #tpu.core_type<tc>, window_params = [{transform_indices = @transform_0, window_bounds = array<i64: 256, 128>}, {pipeline_mode = #tpu.pipeline_mode<synchronous>, transform_indices = @transform_1, window_bounds = array<i64: 128, 128>}, {transform_indices = @transform_2, window_bounds = array<i64: 256, 128>}]} {
    %get3A = arith.constant 0 : index
    %get3A_0 = arith.constant 0 : index
    %get3A_1 = vector.load %arg1[%get3A, %get3A_0] : memref<256x128xf32, #tpu.memory_space<vmem>>, vector<256x128xf32>
    %get3A_2 = arith.constant 0 : index
    %get3A_3 = arith.constant 0 : index
    %get3A_4 = vector.load %arg2[%get3A_2, %get3A_3] : memref<128x128xf32, #tpu.memory_space<vmem>>, vector<128x128xf32>
    %dot_general3A = arith.constant dense<0.000000e+00> : vector<256x128xf32>
    %dot_general3A_5 = tpu.matmul %get3A_1, %get3A_4, %dot_general3A {dimension_numbers = #tpu.dot_dimension_numbers<[1], [0], [0], [1], [0, 0, 1, 1], [], []>, transpose_lhs_hint = false} : vector<256x128xf32>, vector<128x128xf32>, vector<256x128xf32> -> vector<256x128xf32>
    %swap3A = arith.constant 0 : index
    %swap3A_6 = arith.constant 0 : index
    %swap3A_7 = vector.load %arg3[%swap3A, %swap3A_6] : memref<256x128xf32, #tpu.memory_space<vmem>>, vector<256x128xf32>
    tpu.vector_store %arg3[%swap3A, %swap3A_6], %dot_general3A_5 {strides = array<i32>} : memref<256x128xf32, #tpu.memory_space<vmem>>, vector<256x128xf32>,
    return
  }
  func.func @transform_0(%arg0: i32) -> (i32, i32) {
    %c0_i32 = arith.constant 0 : i32
    %c0_i32_0 = arith.constant 0 : i32
    return %arg0, %c0_i32 : i32, i32
  }
  func.func @transform_1(%arg0: i32) -> (i32, i32) {
    %c0_i32 = arith.constant 0 : i32
    %c0_i32_0 = arith.constant 0 : i32
    %c0_i32_1 = arith.constant 0 : i32
    return %c0_i32, %c0_i32_0 : i32, i32
  }
  func.func @transform_2(%arg0: i32) -> (i32, i32) {
    %c0_i32 = arith.constant 0 : i32
    %c0_i32_0 = arith.constant 0 : i32
    return %arg0, %c0_i32 : i32, i32
  }
}

module attributes {stable_mosaic.version = 14 : i64} {
  func.func @_tc_scale_block(%arg0: i32, %arg1: memref<256x128xf32, #tpu.memory_space<vmem>>, %arg2: memref<256x16xf32, #tpu.memory_space<vmem>>, %arg3: memref<256x16xf32, #tpu.memory_space<vmem>>, %arg4: memref<256x128xf32, #tpu.memory_space<vmem>>) attributes {dimension_semantics = [#tpu.dimension_semantics<arbitrary>], iteration_bounds = array<i64: 40>, scalar_prefetch = 0 : i64, scratch_operands = 0 : i64, tpu.core_type = #tpu.core_type<tc>, window_params = [{transform_indices = @transform_0, window_bounds = array<i64: 256, 128>}, {transform_indices = @transform_1, window_bounds = array<i64: 256, 16>}, {transform_indices = @transform_2, window_bounds = array<i64: 256, 16>}, {transform_indices = @transform_3, window_bounds = array<i64: 256, 128>}]} {
    %get3A = arith.constant 0 : index
    %get3A_0 = arith.constant 0 : index
    %get3A_1 = vector.load %arg2[%get3A, %get3A_0] : memref<256x16xf32, #tpu.memory_space<vmem>>, vector<256x1xf32>
    %get3A_2 = arith.constant 0 : index
    %get3A_3 = arith.constant 0 : index
    %get3A_4 = vector.load %arg3[%get3A_2, %get3A_3] : memref<256x16xf32, #tpu.memory_space<vmem>>, vector<256x1xf32>
    %add3A = arith.addf %get3A_1, %get3A_4 : vector<256x1xf32>
    %add3A_5 = arith.constant 1.000000e+00 : f32
    %add3A_6 = vector.broadcast %add3A_5 : f32 to vector<256x1xf32>
    %add3A_7 = arith.addf %add3A, %add3A_6 : vector<256x1xf32>
    %get3A_8 = arith.constant 0 : index
    %get3A_9 = arith.constant 0 : index
    %get3A_10 = vector.load %arg1[%get3A_8, %get3A_9] : memref<256x128xf32, #tpu.memory_space<vmem>>, vector<256x128xf32>
    %rsqrt3A = math.rsqrt %add3A_7 : vector<256x1xf32>
    %mul3A = vector.broadcast %rsqrt3A : vector<256x1xf32> to vector<256x128xf32>
    %mul3A_11 = arith.mulf %get3A_10, %mul3A : vector<256x128xf32>
    %swap3A = arith.constant 0 : index
    %swap3A_12 = arith.constant 0 : index
    %swap3A_13 = vector.load %arg4[%swap3A, %swap3A_12] : memref<256x128xf32, #tpu.memory_space<vmem>>, vector<256x128xf32>
    tpu.vector_store %arg4[%swap3A, %swap3A_12], %mul3A_11 {strides = array<i32>} : memref<256x128xf32, #tpu.memory_space<vmem>>, vector<256x128xf32>,
    return
  }
  func.func @transform_0(%arg0: i32) -> (i32, i32) {
    %c0_i32 = arith.constant 0 : i32
    %c0_i32_0 = arith.constant 0 : i32
    return %arg0, %c0_i32 : i32, i32
  }
  func.func @transform_1(%arg0: i32) -> (i32, i32) {
    %c0_i32 = arith.constant 0 : i32
    %c0_i32_0 = arith.constant 0 : i32
    return %arg0, %c0_i32 : i32, i32
  }
  func.func @transform_2(%arg0: i32) -> (i32, i32) {
    %add3A = arith.constant 40 : i32
    %add3A_0 = arith.addi %arg0, %add3A : i32
    %c0_i32 = arith.constant 0 : i32
    %c0_i32_1 = arith.constant 0 : i32
    return %add3A_0, %c0_i32 : i32, i32
  }
  func.func @transform_3(%arg0: i32) -> (i32, i32) {
    %c0_i32 = arith.constant 0 : i32
    %c0_i32_0 = arith.constant 0 : i32
    return %arg0, %c0_i32 : i32, i32
  }
}

module attributes {stable_mosaic.version = 14 : i64} {
  func.func @_tc_post_body(%arg0: memref<20480x128xf32, #tpu.memory_space<vmem>>, %arg1: memref<10240x128xf32, #tpu.memory_space<vmem>>, %arg2: memref<20480x16xf32, #tpu.memory_space<vmem>>, %arg3: memref<1x128xf32, #tpu.memory_space<vmem>>, %arg4: memref<80x128xi32, #tpu.memory_space<vmem>>, %arg5: memref<128x8xf32, #tpu.memory_space<vmem>>, %arg6: memref<1x8xf32, #tpu.memory_space<vmem>>, %arg7: memref<64x8xf32, #tpu.memory_space<vmem>>, %arg8: memref<64x128xf32, #tpu.memory_space<vmem>>, %arg9: memref<10240x128xf32, #tpu.memory_space<vmem>>) attributes {dimension_semantics = [], scalar_prefetch = 0 : i64, scratch_operands = 1 : i64, tpu.core_type = #tpu.core_type<tc>} {
    %get3A = arith.constant 0 : index
    %get3A_0 = arith.constant 0 : index
    %get3A_1 = vector.load %arg0[%get3A, %get3A_0] : memref<20480x128xf32, #tpu.memory_space<vmem>>, vector<10240x128xf32>
    %get3A_2 = arith.constant 10240 : index
    %get3A_3 = arith.constant 0 : index
    %get3A_4 = vector.load %arg0[%get3A_2, %get3A_3] : memref<20480x128xf32, #tpu.memory_space<vmem>>, vector<10240x128xf32>
    %add3A = arith.addf %get3A_1, %get3A_4 : vector<10240x128xf32>
    %get3A_5 = arith.constant 0 : index
    %get3A_6 = arith.constant 0 : index
    %get3A_7 = vector.load %arg2[%get3A_5, %get3A_6] : memref<20480x16xf32, #tpu.memory_space<vmem>>, vector<10240x1xf32>
    %get3A_8 = arith.constant 10240 : index
    %get3A_9 = arith.constant 0 : index
    %get3A_10 = vector.load %arg2[%get3A_8, %get3A_9] : memref<20480x16xf32, #tpu.memory_space<vmem>>, vector<10240x1xf32>
    %add3A_11 = arith.addf %get3A_7, %get3A_10 : vector<10240x1xf32>
    %add3A_12 = arith.constant 1.000000e+00 : f32
    %add3A_13 = vector.broadcast %add3A_12 : f32 to vector<10240x1xf32>
    %add3A_14 = arith.addf %add3A_11, %add3A_13 : vector<10240x1xf32>
    %rsqrt3A = math.rsqrt %add3A_14 : vector<10240x1xf32>
    %get3A_15 = arith.constant 0 : index
    %get3A_16 = arith.constant 0 : index
    %get3A_17 = vector.load %arg1[%get3A_15, %get3A_16] : memref<10240x128xf32, #tpu.memory_space<vmem>>, vector<10240x128xf32>
    %add3A_18 = arith.addf %add3A, %get3A_17 : vector<10240x128xf32>
    %mul3A = vector.broadcast %rsqrt3A : vector<10240x1xf32> to vector<10240x128xf32>
    %mul3A_19 = arith.mulf %mul3A, %add3A_18 : vector<10240x128xf32>
    %get3A_20 = arith.constant 0 : index
    %get3A_21 = arith.constant 0 : index
    %get3A_22 = vector.load %arg3[%get3A_20, %get3A_21] : memref<1x128xf32, #tpu.memory_space<vmem>>, vector<1x128xf32>
    %add3A_23 = vector.broadcast %get3A_22 : vector<1x128xf32> to vector<10240x128xf32>
    %add3A_24 = arith.addf %mul3A_19, %add3A_23 : vector<10240x128xf32>
    %max3A = arith.constant 0.000000e+00 : f32
    %max3A_25 = vector.broadcast %max3A : f32 to vector<10240x128xf32>
    %max3A_26 = arith.maximumf %add3A_24, %max3A_25 : vector<10240x128xf32>
    %swap3A = arith.constant 0 : index
    %swap3A_27 = arith.constant 0 : index
    %swap3A_28 = vector.load %arg9[%swap3A, %swap3A_27] : memref<10240x128xf32, #tpu.memory_space<vmem>>, vector<10240x128xf32>
    tpu.vector_store %arg9[%swap3A, %swap3A_27], %max3A_26 {strides = array<i32>} : memref<10240x128xf32, #tpu.memory_space<vmem>>, vector<10240x128xf32>,
    %get3A_29 = arith.constant 0 : index
    %get3A_30 = arith.constant 0 : index
    %get3A_31 = vector.load %arg4[%get3A_29, %get3A_30] : memref<80x128xi32, #tpu.memory_space<vmem>>, vector<80x128xi32>
    %scan3A = arith.constant 0 : i32
    %scan3A_32 = arith.constant 64 : i32
    %scan3A_33 = arith.addi %scan3A, %scan3A_32 : i32
    %scan3A_34 = arith.constant 1 : i32
    scf.for %scan3A_51 = %scan3A to %scan3A_33 step %scan3A_34  : i32 {
      %lt3A = vector.broadcast %scan3A_51 : i32 to vector<80x128xi32>
      %lt3A_52 = arith.cmpi slt, %get3A_31, %lt3A : vector<80x128xi32>
      %jit3A = arith.constant 1 : i32
      %jit3A_53 = arith.constant 0 : i32
      %broadcast_in_dim3A = vector.broadcast %jit3A : i32 to vector<80x128xi32>
      %broadcast_in_dim3A_54 = vector.broadcast %jit3A_53 : i32 to vector<80x128xi32>
      %select_n3A = arith.select %lt3A_52, %broadcast_in_dim3A, %broadcast_in_dim3A_54 : vector<80x128xi1>, vector<80x128xi32>
      %reduce_sum3A = vector.shape_cast %select_n3A : vector<80x128xi32> to vector<1x80x128xi32>
      %reduce_sum3A_55 = arith.constant dense<0> : vector<1xi32>
      %reduce_sum3A_56 = vector.multi_reduction <add>, %reduce_sum3A, %reduce_sum3A_55 [1, 2] : vector<1x80x128xi32> to vector<1xi32>
      %reduce_sum3A_57 = vector.shape_cast %reduce_sum3A_56 : vector<1xi32> to vector<1x1x1xi32>
      %reduce_sum3A_58 = vector.extract %reduce_sum3A_57[0, 0, 0] : i32 from vector<1x1x1xi32>
      %eq3A = vector.broadcast %scan3A_51 : i32 to vector<80x128xi32>
      %eq3A_59 = arith.cmpi eq, %get3A_31, %eq3A : vector<80x128xi32>
      %jit3A_60 = arith.constant 1 : i32
      %jit3A_61 = arith.constant 0 : i32
      %broadcast_in_dim3A_62 = vector.broadcast %jit3A_60 : i32 to vector<80x128xi32>
      %broadcast_in_dim3A_63 = vector.broadcast %jit3A_61 : i32 to vector<80x128xi32>
      %select_n3A_64 = arith.select %eq3A_59, %broadcast_in_dim3A_62, %broadcast_in_dim3A_63 : vector<80x128xi1>, vector<80x128xi32>
      %reduce_sum3A_65 = vector.shape_cast %select_n3A_64 : vector<80x128xi32> to vector<1x80x128xi32>
      %reduce_sum3A_66 = arith.constant dense<0> : vector<1xi32>
      %reduce_sum3A_67 = vector.multi_reduction <add>, %reduce_sum3A_65, %reduce_sum3A_66 [1, 2] : vector<1x80x128xi32> to vector<1xi32>
      %reduce_sum3A_68 = vector.shape_cast %reduce_sum3A_67 : vector<1xi32> to vector<1x1x1xi32>
      %reduce_sum3A_69 = vector.extract %reduce_sum3A_68[0, 0, 0] : i32 from vector<1x1x1xi32>
      %broadcast_in_dim3A_70 = arith.constant 0.000000e+00 : f32
      %broadcast_in_dim3A_71 = vector.broadcast %broadcast_in_dim3A_70 : f32 to vector<32x128xf32>
      %while3A = arith.constant 0 : i32
      %while3A_72:2 = scf.while (%while3A_78 = %while3A, %while3A_79 = %broadcast_in_dim3A_71) : (i32, vector<32x128xf32>) -> (i32, vector<32x128xf32>) {
        %mul3A_80 = arith.constant 32 : i32
        %mul3A_81 = arith.muli %while3A_78, %mul3A_80 : i32
        %lt3A_82 = arith.cmpi slt, %mul3A_81, %reduce_sum3A_69 : i32
        scf.condition(%lt3A_82) %while3A_78, %while3A_79 : i32, vector<32x128xf32>
      } do {
      ^bb0(%while3A_78: i32, %while3A_79: vector<32x128xf32>):
        %mul3A_80 = arith.constant 32 : i32
        %mul3A_81 = arith.muli %while3A_78, %mul3A_80 : i32
        %add3A_82 = arith.addi %reduce_sum3A_58, %mul3A_81 : i32
        %get3A_83 = arith.index_cast %add3A_82 : i32 to index
        %get3A_84 = arith.constant 0 : index
        %get3A_85 = vector.load %arg9[%get3A_83, %get3A_84] : memref<10240x128xf32, #tpu.memory_space<vmem>>, vector<32x128xf32>
        %iota3A = tpu.iota {dimensions = array<i32: 0>} : vector<32x128xi32>
        %mul3A_86 = arith.constant 32 : i32
        %mul3A_87 = arith.muli %while3A_78, %mul3A_86 : i32
        %add3A_88 = vector.broadcast %mul3A_87 : i32 to vector<32x128xi32>
        %add3A_89 = arith.addi %iota3A, %add3A_88 : vector<32x128xi32>
        %lt3A_90 = vector.broadcast %reduce_sum3A_69 : i32 to vector<32x128xi32>
        %lt3A_91 = arith.cmpi slt, %add3A_89, %lt3A_90 : vector<32x128xi32>
        %jit3A_92 = arith.constant 0.000000e+00 : f32
        %broadcast_in_dim3A_93 = vector.broadcast %jit3A_92 : f32 to vector<32x128xf32>
        %select_n3A_94 = arith.select %lt3A_91, %get3A_85, %broadcast_in_dim3A_93 : vector<32x128xi1>, vector<32x128xf32>
        %add3A_95 = arith.constant 1 : i32
        %add3A_96 = arith.addi %while3A_78, %add3A_95 : i32
        %max3A_97 = arith.maximumf %while3A_79, %select_n3A_94 : vector<32x128xf32>
        scf.yield %add3A_96, %max3A_97 : i32, vector<32x128xf32>
      }
      %reduce_max3A = arith.constant dense<0xFF800000> : vector<128xf32>
      %reduce_max3A_73 = vector.multi_reduction <maximumf>, %while3A_72#1, %reduce_max3A [0] : vector<32x128xf32> to vector<128xf32>
      %broadcast_in_dim3A_74 = vector.shape_cast %reduce_max3A_73 : vector<128xf32> to vector<1x128xf32>
      %swap3A_75 = arith.index_cast %scan3A_51 : i32 to index
      %swap3A_76 = arith.constant 0 : index
      %swap3A_77 = vector.load %arg8[%swap3A_75, %swap3A_76] : memref<64x128xf32, #tpu.memory_space<vmem>>, vector<1x128xf32>
      tpu.vector_store %arg8[%swap3A_75, %swap3A_76], %broadcast_in_dim3A_74 {strides = array<i32>} : memref<64x128xf32, #tpu.memory_space<vmem>>, vector<1x128xf32>,
    }
    %scan3A_35 = arith.constant 64 : i32
    %get3A_36 = arith.constant 0 : index
    %get3A_37 = arith.constant 0 : index
    %get3A_38 = vector.load %arg8[%get3A_36, %get3A_37] : memref<64x128xf32, #tpu.memory_space<vmem>>, vector<64x128xf32>
    %get3A_39 = arith.constant 0 : index
    %get3A_40 = arith.constant 0 : index
    %get3A_41 = vector.load %arg5[%get3A_39, %get3A_40] : memref<128x8xf32, #tpu.memory_space<vmem>>, vector<128x8xf32>
    %dot_general3A = arith.constant dense<0.000000e+00> : vector<64x8xf32>
    %dot_general3A_42 = tpu.matmul %get3A_38, %get3A_41, %dot_general3A {dimension_numbers = #tpu.dot_dimension_numbers<[1], [0], [0], [1], [0, 0, 1, 1], [], []>, transpose_lhs_hint = false} : vector<64x128xf32>, vector<128x8xf32>, vector<64x8xf32> -> vector<64x8xf32>
    %get3A_43 = arith.constant 0 : index
    %get3A_44 = arith.constant 0 : index
    %get3A_45 = vector.load %arg6[%get3A_43, %get3A_44] : memref<1x8xf32, #tpu.memory_space<vmem>>, vector<1x8xf32>
    %add3A_46 = vector.broadcast %get3A_45 : vector<1x8xf32> to vector<64x8xf32>
    %add3A_47 = arith.addf %dot_general3A_42, %add3A_46 : vector<64x8xf32>
    %swap3A_48 = arith.constant 0 : index
    %swap3A_49 = arith.constant 0 : index
    %swap3A_50 = vector.load %arg7[%swap3A_48, %swap3A_49] : memref<64x8xf32, #tpu.memory_space<vmem>>, vector<64x8xf32>
    tpu.vector_store %arg7[%swap3A_48, %swap3A_49], %add3A_47 {strides = array<i32>} : memref<64x8xf32, #tpu.memory_space<vmem>>, vector<64x8xf32>,
    return
  }
}

</mosaic_0001>

<sc_bundles>
// kernel: kernel.10.cloned.1.call-start
scs
__scs_entry_jumppad:
0x0: {  	(pc) =	sbr.rel $0x88, $3  }
0x1: {  	(tag) =	ssettag $0x0;
	lr =	simm.s32 $0x1  }
0x2: {  	[smem:$0x3F9A] =	sst lr;
	_ =	strace $0xD0000000  }
0x3: {  	_ = 	snop  }
0x4: {  	_ = 	snop  }
0x5: {  	_ = 	snop  }
0x6: {  	_ = 	snop  }
0x7: {  	_ = 	snop  }
__scs_overlays_trampoline_lowered:
0x8: {  	[smem:$0x3FA9] =	sst s0  }
0x9: {  	[smem:$0x3FAA] =	sst s1  }
0xa: {  	[smem:$0x3FAB] =	sst s2  }
0xb: {  	[smem:$0x3FAC] =	sst s3  }
0xc: {  	[smem:$0x3FAD] =	sst s4  }
0xd: {  	[smem:$0x3FAE] =	sst s5  }
0xe: {  	[smem:$0x3FAF] =	sst s6  }
0xf: {  	[smem:$0x3FB0] =	sst s7  }
0x10: {  	[smem:$0x3FB1] =	sst s8  }
0x11: {  	[smem:$0x3FB2] =	sst s9;
	s0 =	simm.s32 @!p0 $0x0  }
0x12: {  	s1 =	sld [smem:$0x3F98];
	s0 =	simm.s32 @p0 $0x1  }
0x13: {  	[smem:$0x3FB3] =	sst s0;
	s0 =	simm.s32 @!p1 $0x0  }
0x14: {  	s2 =	sld [smem:$0x3F97];
	s0 =	simm.s32 @p1 $0x1  }
0x15: {  	[smem:$0x3FB4] =	sst s0;
	s0 =	simm.s32 @!p2 $0x0  }
0x16: {  	s3 =	sld [smem:$0x3FDB];
	s0 =	simm.s32 @p2 $0x1  }
0x17: {  	s4 =	simm.s32 $0x1BF5;
	[smem:$0x3FB6] =	sst s0  }
0x18: {  	s0 =	sld [smem:$0x3F99];
	_ =	swait.ge [sflag:s4], $0x0  }
0x19: {  	s7 =	sld [smem:$0x3F9A]  }
0x1a: {  	s8 =	sadd.s32 $0xFFFFE003, lr  }
0x1b: {  	s9 =	sadd.s32 $0xFFFFFEF7, lr;
	s5 =	simm.s32 $0xFFFFFFFF;
	p2 =	slt.u32 s8, $0xFFFFF086  }
0x1c: {  	p1 =	slt.u32 s9, $0xF7A;
	s5 =	simm.s32 @!p2 $0x0  }
0x1d: {  	s5 =	simm.s32 @p1 $0x1;
	p0 =	seq.s32 s7, s2  }
0x1e: {  	s7 =	smul.u32 @!p0 $0xF7A, s2;
	p2 =	seq.s32 @!p0 s5, $0x0  }
0x1f: {  	s9 =	smul.u32 $0xF7A, s1;
	s8 =	simm.s32 @!p0 $0x1BF5;
	p2 =	por !p2, p0  }
0x20: {  	[sflag:s8] =	ssyncset.s32 @!p0 $0xFFFFF086;
	s6 =	sadd.s32 @!p0 s3, s7;
	s7 =	simm.s32 @!p0 $0x108  }
0x21: {  	s3 =	sadd.s32 s3, s9;
	s6 =	sadd.s32 @!p0 $0x88, s6;
	s7 =	simm.s32 @p2 $0x1082  }
0x22: {  	[simem:s7], [sflag:s8] =	dma.local @!p0 [hbm:s6], $0xF7A  }
0x23: {  	s9 =	sor.u32 $0xD0000000, s2;
	s6 =	simm.s32 $0x108;
	_ =	swait.ge @!p0 [sflag:s8], $0x0  }
0x24: {  	s3 =	sadd.s32 $0x88, s3;
	s6 =	simm.s32 @!p1 $0x1082;
	[sflag:s4] =	ssyncset.s32 $0xFFFFF086  }
0x25: {  	[simem:s6], [sflag:s4] =	dma.local [hbm:s3], $0xF7A  }
0x26: {  	[smem:$0x3F9A] =	sst s1;
	(tag) =	ssettag s2;
	_ =	strace s9  }
0x27: {  	s1 =	sld [smem:$0x3FAA]  }
0x28: {  	s2 =	sld [smem:$0x3FAB]  }
0x29: {  	s4 =	sld [smem:$0x3FAD]  }
0x2a: {  	p0 =	seq.s32 s5, $0x0;
	s5 =	sld [smem:$0x3FAE]  }
0x2b: {  	s6 =	sld [smem:$0x3FAF]  }
0x2c: {  	s7 =	sld [smem:$0x3FB0]  }
0x2d: {  	s3 =	simm.s32 $0x108;
	s8 =	sld [smem:$0x3FB1]  }
0x2e: {  	s3 =	simm.s32 @!p0 $0x1082;
	s9 =	sld [smem:$0x3FB2]  }
0x2f: {  	lr =	sadd.s32 s0, s3;
	s0 =	sld [smem:$0x3FA9]  }
0x30: {  	s3 =	sld [smem:$0x3FAC]  }
0x31: {  	[smem:$0x3FB5] =	sst s10  }
0x32: {  	s10 =	sld [smem:$0x3FB3];
	_ =	sdelay $0x3  }
0x33: {  	p0 =	seq.s32 s10, $0x1;
	s10 =	sld [smem:$0x3FB5];
	_ =	sdelay $0x3  }
0x34: {  	[smem:$0x3FB5] =	sst s10  }
0x35: {  	s10 =	sld [smem:$0x3FB4];
	_ =	sdelay $0x3  }
0x36: {  	p1 =	seq.s32 s10, $0x1;
	s10 =	sld [smem:$0x3FB5];
	_ =	sdelay $0x3  }
0x37: {  	[smem:$0x3FB5] =	sst s10  }
0x38: {  	s10 =	sld [smem:$0x3FB6]  }
0x39: {  	_ = 	snop;
	(pc) =	sbr.ind lr, $3  }
0x3a: {  	_ = 	snop  }
0x3b: {  	_ = 	snop  }
0x3c: {  	p2 =	seq.s32 s10, $0x1;
	s10 =	sld [smem:$0x3FB5]  }
0x3d: {  	_ =	shalt  }
0x3e: {  	_ =	shalt  }
0x3f: {  	_ =	shalt  }
0x40: {  	_ =	shalt  }
0x41: {  	_ =	shalt  }
0x42: {  	_ =	shalt  }
0x43: {  	_ =	shalt  }
0x44: {  	_ =	shalt  }
0x45: {  	_ =	shalt  }
0x46: {  	_ =	shalt  }
0x47: {  	_ =	shalt  }
0x48: {  	_ =	shalt  }
0x49: {  	_ =	shalt  }
0x4a: {  	_ =	shalt  }
0x4b: {  	_ =	shalt  }
0x4c: {  	_ =	shalt  }
0x4d: {  	_ =	shalt  }
0x4e: {  	_ =	shalt  }
0x4f: {  	_ =	shalt  }
0x50: {  	_ =	shalt  }
0x51: {  	_ =	shalt  }
0x52: {  	_ =	shalt  }
0x53: {  	_ =	shalt  }
0x54: {  	_ =	shalt  }
0x55: {  	_ =	shalt  }
0x56: {  	_ =	shalt  }
0x57: {  	_ =	shalt  }
0x58: {  	_ =	shalt  }
0x59: {  	_ =	shalt  }
0x5a: {  	_ =	shalt  }
0x5b: {  	_ =	shalt  }
0x5c: {  	_ =	shalt  }
0x5d: {  	_ =	shalt  }
0x5e: {  	_ =	shalt  }
0x5f: {  	_ =	shalt  }
0x60: {  	_ =	shalt  }
0x61: {  	_ =	shalt  }
0x62: {  	_ =	shalt  }
0x63: {  	_ =	shalt  }
0x64: {  	_ =	shalt  }
0x65: {  	_ =	shalt  }
0x66: {  	_ =	shalt  }
0x67: {  	_ =	shalt  }
0x68: {  	_ =	shalt  }
0x69: {  	_ =	shalt  }
0x6a: {  	_ =	shalt  }
0x6b: {  	_ =	shalt  }
0x6c: {  	_ =	shalt  }
0x6d: {  	_ =	shalt  }
0x6e: {  	_ =	shalt  }
0x6f: {  	_ =	shalt  }
0x70: {  	_ =	shalt  }
0x71: {  	_ =	shalt  }
0x72: {  	_ =	shalt  }
0x73: {  	_ =	shalt  }
0x74: {  	_ =	shalt  }
0x75: {  	_ =	shalt  }
0x76: {  	_ =	shalt  }
0x77: {  	_ =	shalt  }
0x78: {  	_ =	shalt  }
0x79: {  	_ =	shalt  }
0x7a: {  	_ =	shalt  }
0x7b: {  	_ =	shalt  }
0x7c: {  	_ =	shalt  }
0x7d: {  	_ =	shalt  }
0x7e: {  	_ =	shalt  }
0x7f: {  	_ =	shalt  }
0x80: {  	_ =	shalt  }
0x81: {  	_ =	shalt  }
0x82: {  	_ =	shalt  }
0x83: {  	_ =	shalt  }
0x84: {  	_ =	shalt  }
0x85: {  	_ =	shalt  }
0x86: {  	_ =	shalt  }
0x87: {  	_ =	shalt  }
.Lfunc_end0:
.L_simem_size_0:
called_computation.1_lowered:
.L_overlay_start_0:
0x88: {  	s2 =	sld [smem:$0x3FD9]  }
0x89: {  	s3 =	sld [smem:$0x3FFE];
	_ =	sdelay $0x1  }
0x8a: {  	s1 =	srdreg.scid  }
0x8b: {  	s0 =	sand.u32 $0x1, s1  }
0x8c: {  	s16 =	sshll.u32 s0, $0xA;
	s2 =	sadd.s32 s3, s2  }
0x8d: {  	s2 =	sadd.s32 s2, s16  }
0x8e: {  	[smem:$0x3FC1] =	sst s2  }
0x8f: {  	_ = 	snop  }
0x90: {  	(tm) =	ssettm $0x1  }
0x91: {  	s17 =	sld [smem:$0x3FFB];
	_ =	sdelay $0x3  }
0x92: {  	_ =	strace s17  }
0x93: {  	s2 =	sld [smem:$0x3FFC];
	_ =	sdelay $0x3  }
0x94: {  	_ =	strace s2  }
0x95: {  	s2 =	sld [smem:$0x3FFD];
	_ =	sdelay $0x3  }
0x96: {  	_ =	strace s2  }
0x97: {  	_ =	strace $0x8FFFFFFF  }
0x98: {  	s18 =	sld [smem:$0x3FDB];
	_ =	sdelay $0x1  }
0x99: {  	s19 =	simm.s32 $_scs_section_size  }
0x9a: {  	s4 =	simm.s32 $_size__tile_overlayer_lowered;
	s5 =	simm.s32 $_tile_overlayer_lowered  }
0x9b: {  	s22 =	simm.s32 $0x1BFF;
	s21 =	sshll.u32 s5, $0x1;
	s2 =	sadd.s32 s19, s18  }
0x9c: {  	s6 =	simm.s32 $0x0;
	s20 =	sshll.u32 s4, $0x1;
	s4 =	sadd.s32 s21, s2  }
0x9d: {  	[timem:s6], [sflag:s22] =	dma.local [hbm:s4], s20  }
0x9e: {  	_ =	swait.ge [sflag:s22], s20  }
0x9f: {  	s3 =	ssub.s32 $0x0, s20;
	[sflag:s22] =	ssyncset.done $0x0  }
0xa0: {  	[sflag:s22] =	ssyncadd.s32 s3;
	_ =	sdelay $0x1  }
0xa1: {  	s23 =	simm.s32 $0x1B8B  }
0xa2: {  	_ =	swait.ge [sflag:s23], $0x1  }
0xa3: {  	[sflag:s23] =	ssyncset.done $0x0  }
0xa4: {  	s25 =	simm.s32 $0x1B8E;
	s24 =	sld [smem:$0x3FFE];
	[sflag:s23] =	ssyncadd.s32 $0xFFFFFFFF  }
0xa5: {  	s26 =	simm.s32 $execute0_lowered;
	[smem:$0x3FD2] =	sst s25  }
0xa6: {  	s4 =	sshll.u32 s26, $0x1;
	_ =	strace $0x80000049;
	[dreg:$0x1] =	wrdreg $0xFFFFFFFF  }
0xa7: {  	s28 =	simm.s32 $_size_execute0_lowered;
	s2 =	sadd.s32 s2, s4;
	[dreg:$0x0] =	wrdreg $0x0  }
0xa8: {  	s4 =	sshll.u32 s28, $0x1;
	[dreg:$0x2] =	wrdreg s2  }
0xa9: {  	[dreg:$0x3] =	wrdreg s4  }
0xaa: {  	[dreg:$0x4] =	wrdreg $0xC0  }
0xab: {  	_ =	task [dreg:s6], $0x5FFFF  }
0xac: {  	[dreg:$0x1] =	wrdreg $0xFFFFFFFF  }
0xad: {  	[dreg:$0x0] =	wrdreg $0x60  }
0xae: {  	[dreg:$0x2] =	wrdreg s24  }
0xaf: {  	[dreg:$0x3] =	wrdreg $0xA8000  }
0xb0: {  	[dreg:$0x4] =	wrdreg $0x9  }
0xb1: {  	_ =	task.clear_ibuf [dreg:s6], $0x5FFFF;
	_ =	strace $0x90000049  }
0xb2: {  	s29 =	simm.s32 $0x9;
	_ =	strace $0x8000004B  }
0xb3: {  	_ =	swait.ge [sflag:s29], $0x1  }
0xb4: {  	[sflag:s29] =	ssyncadd.s32 $0xFFFFFFFF  }
0xb5: {  	_ =	strace $0x9000004B  }
0xb6: {  	_ =	sfence  }
0xb7: {  	s30 =	sld [smem:$0x0];
	_ =	sdelay $0x2  }
0xb8: {  	s31 =	sshll.u32 s1, $0xD;
	s1 =	sshrl.u32 s1, $0x2  }
0xb9: {  	s3 =	sand.u32 $0x4000, s31;
	s1 =	sadd.s32 s1, s30  }
0xba: {  	s0 =	sor.u32 s3, s0;
	s1 =	sshll.u32 s1, $0x11  }
0xbb: {  	s0 =	sor.u32 s1, s0  }
0xbc: {  	s0 =	sadd.s32 $0x8F2B, s0  }
0xbd: {  	[sflag:s0] =	ssyncadd.remote.s32 $0x1  }
0xbe: {  	_ =	sfence.sel $0xFFFF  }
0xbf: {  	[dreg:$0x0] =	wrdreg $0xFFFFFFFF;
	(pc) =	sbr.abs _section_cstart, $3  }
0xc0: {  	[dreg:$0x1] =	wrdreg $0xFFFFFFFF  }
0xc1: {  	_ =	task.clear_ibuf [dreg:s6], $0x2FFFF;
	_ =	strace $0x9FFFFFFF  }
0xc2: {  	(tm) =	ssettm $0x7FFFFFFF  }
0xc3: {  	_ =	shalt  }
tec
execute0_lowered:
.L_overlay_start_1:
0x0: {  	(tag) =	ssettag $0x1  }
0x1: {  	s8 =	rddreg [dreg:$0x0]  }
0x2: {  	s2 =	rddreg [dreg:$0x1]  }
0x3: {  	s0 =	rddreg [dreg:$0x2]  }
0x4: {  	s3 =	simm.s32 $0x0;
	s4 =	srdreg.scid;
	s1 =	stileid.u32  }
0x5: {  	s16 =	simm.s32 $0x2800;
	s17 =	simm.s32 $0x6800;
	s18 =	simm.s32 $0x1  }
0x6: {  	s19 =	simm.s32 $0x2;
	s20 =	simm.s32 $0x3;
	s21 =	simm.s32 $0x4  }
0x7: {  	s23 =	simm.s32 $0x2780;
	[smem:$0x7FF] =	sst s3;
	s22 =	sand.u32 $0x1, s4  }
0x8: {  	s9 =	smul.u32 $0x1400, s1;
	s4 =	sadd.s32 $0x68000, s8;
	s5 =	sadd.s32 $0x2400, s8  }
0x9: {  	s6 =	sadd.s32 $0xC400, s8;
	s7 =	sadd.s32 $0x16400, s8;
	s11 =	smul.u32 $0x28000, s1  }
0xa: {  	s30 =	smul.u32 $0x28, s1;
	s14 =	sshll.u32 s1, $0x6;
	_ =	strace $0x8000004A  }
0xb: {  	s10 =	smul.u32 $0x28000, s22;
	s28 =	ssub.s32 $0x2, s22;
	p0 =	seq.s32 s22, $0x0  }
0xc: {  	s29 =	sshrl.u32 s28, $0x1;
	s31 =	sshrl.u32 s11, $0x2;
	s11 =	smul.u32 $0x78, s1  }
0xd: {  	s9 =	sadd.s32 s9, s10;
	s13 =	ssub.s32 s28, s29;
	s15 =	sadd.s32 s31, s2  }
0xe: {  	s12 =	sadd.s32 s9, s8;
	s8 =	sadd.s32 $0x780, s30;
	s9 =	sor.u32 $0x1C05, s14  }
0xf: {  	s14 =	simm.s32 $0x1400;
	s8 =	smov.u32 @p0 s11;
	s10 =	sadd.s32 $0x90000, s12  }
0x10: {  	s11 =	smax.u32 s13, $0x1;
	s12 =	sshrl.u32 s15, $0x3;
	s13 =	simm.s32 $0x5  }
0x11: {  	s15 =	simm.s32 $0x80;
	p0 =	sne.s32 s22, $0x0;
	s22 =	simm.s32 $0x2700  }
.LBB2_1:
0x12: {  	[spmem:s12], [sflag:s9] =	dma.local [hbm:s7], $0x1400  }
0x13: {  	_ =	swait.ge [sflag:s13], $0x1400  }
0x14: {  	[sflag:s13] =	ssyncset.done $0x0  }
0x15: {  	[sflag:s13] =	ssyncadd.s32 $0xFFFFEC00  }
0x16: {  	s24 =	simm.s32 $0x0;
	[bflag:$0x0] =	sbarrier.arrive $0xFFFF  }
.LBB2_2:
0x17: {  	s25 =	smul.u32 $0x28, s24;
	_ =	sdelay $0x1  }
0x18: {  	s25 =	sadd.s32 s8, s25  }
0x19: {  	s25 =	sshll.u32 s25, $0x4  }
0x1a: {  	s28 =	simm.s32 $0x0;
	s26 =	sadd.s32 s5, s25  }
0x1b: {  	[tilespmem:s28], [sflag:$0x5] =	stream.linear.gather [hbm4b:s26+s28], $0x1400, $0x38;
	[tilespmem:$0x1E800] =	vst v63  }
0x1c: {  	_ =	swait.ge [sflag:s13], $0x1400  }
0x1d: {  	[sflag:s13] =	ssyncset.done $0x0  }
0x1e: {  	s25 =	sadd.s32 s6, s25;
	[sflag:s13] =	ssyncadd.s32 $0xFFFFEC00  }
0x1f: {  	[tilespmem:s14], [sflag:$0x5] =	stream.linear.gather [hbm4b:s25+s28], $0x1400, $0x38;
	[tilespmem:$0x1E800] =	vst v63  }
0x20: {  	_ =	swait.ge [sflag:s13], $0x1400  }
0x21: {  	[sflag:s13] =	ssyncset.done $0x0  }
0x22: {  	[sflag:s13] =	ssyncadd.s32 $0xFFFFEC00  }
0x23: {  	[tilespmem:s16], [sflag:$0x1] =	stream.indirect.gather [hbm4b:s4+s15], $0x80, s28, s15, $0xb8;
	[tilespmem:$0x1E800] =	vst v63  }
0x24: {  	_ = 	snop  }
0x25: {  	[tilespmem:s17], [sflag:$0x2] =	stream.indirect.gather [hbm4b:s4+s15], $0x80, s15, s15, $0xb8;
	[tilespmem:$0x1E800] =	vst v63  }
0x26: {  	_ =	swait.ge [sflag:s18], $0x4000  }
0x27: {  	[sflag:s18] =	ssyncset.done $0x0  }
0x28: {  	s29 =	simm.s32 $0x1400;
	[sflag:s18] =	ssyncadd.s32 $0xFFFFC000  }
0x29: {  	[spmem:s2] =	stream.indirect.scatter.add.f32 [tilespmem:s16], [sflag:$0x3], $0x80, s29, s15, $0xb8;
	[tilespmem:$0x1E800] =	vst v63  }
0x2a: {  	_ =	swait.ge [sflag:s19], $0x4000  }
0x2b: {  	[sflag:s19] =	ssyncset.done $0x0  }
0x2c: {  	s30 =	simm.s32 $0x1480;
	[sflag:s19] =	ssyncadd.s32 $0xFFFFC000  }
0x2d: {  	[spmem:s2] =	stream.indirect.scatter.add.f32 [tilespmem:s17], [sflag:$0x4], $0x80, s30, s15, $0xb8;
	[tilespmem:$0x1E800] =	vst v63  }
0x2e: {  	_ =	swait.ge [sflag:s20], $0x4000  }
0x2f: {  	[sflag:s20] =	ssyncset.done $0x0  }
0x30: {  	s31 =	simm.s32 $0x100;
	[sflag:s20] =	ssyncadd.s32 $0xFFFFC000  }
0x31: {  	[tilespmem:s16], [sflag:$0x1] =	stream.indirect.gather [hbm4b:s4+s15], $0x80, s31, s15, $0xb8;
	[tilespmem:$0x1E800] =	vst v63  }
0x32: {  	_ =	swait.ge [sflag:s21], $0x4000  }
0x33: {  	[sflag:s21] =	ssyncset.done $0x0  }
0x34: {  	s26 =	simm.s32 $0x180;
	s25 =	simm.s32 $0x400;
	[sflag:s21] =	ssyncadd.s32 $0xFFFFC000  }
.LBB2_3:
0x35: {  	[tilespmem:s17], [sflag:$0x2] =	stream.indirect.gather [hbm4b:s4+s15], $0x80, s26, s15, $0xb8;
	[tilespmem:$0x1E800] =	vst v63  }
0x36: {  	s26 =	smov.u32 s25  }
0x37: {  	p1 =	sne.s32 s25, $0x4800;
	s25 =	sadd.s32 $0x400, s25;
	_ =	swait.ge [sflag:s18], $0x4000  }
0x38: {  	s26 =	sshra.s32 s26, $0x2;
	[sflag:s18] =	ssyncset.done $0x0  }
0x39: {  	s28 =	sadd.s32 $0x1400, s26;
	[sflag:s18] =	ssyncadd.s32 $0xFFFFC000  }
0x3a: {  	[spmem:s2] =	stream.indirect.scatter.add.f32 [tilespmem:s16], [sflag:$0x3], $0x80, s28, s15, $0xb8;
	[tilespmem:$0x1E800] =	vst v63  }
0x3b: {  	_ =	swait.ge [sflag:s19], $0x4000  }
0x3c: {  	[sflag:s19] =	ssyncset.done $0x0  }
0x3d: {  	s28 =	sadd.s32 $0x1480, s26;
	[sflag:s19] =	ssyncadd.s32 $0xFFFFC000  }
0x3e: {  	[spmem:s2] =	stream.indirect.scatter.add.f32 [tilespmem:s17], [sflag:$0x4], $0x80, s28, s15, $0xb8;
	[tilespmem:$0x1E800] =	vst v63  }
0x3f: {  	_ =	swait.ge [sflag:s20], $0x4000  }
0x40: {  	[sflag:s20] =	ssyncset.done $0x0  }
.Ltmp0:
0x41: {  	s28 =	sadd.s32 $0x100, s26;
	[sflag:s20] =	ssyncadd.s32 $0xFFFFC000;
	(pc) =	sbr.rel @p1 .LBB2_3-.Ltmp0, $4  }
0x42: {  	[tilespmem:s16], [sflag:$0x1] =	stream.indirect.gather [hbm4b:s4+s15], $0x80, s28, s15, $0xb8;
	[tilespmem:$0x1E800] =	vst v63  }
0x43: {  	_ =	swait.ge [sflag:s21], $0x4000  }
0x44: {  	[sflag:s21] =	ssyncset.done $0x0  }
0x45: {  	s26 =	sadd.s32 $0x180, s26;
	[sflag:s21] =	ssyncadd.s32 $0xFFFFC000  }
0x46: {  	[tilespmem:s17], [sflag:$0x2] =	stream.indirect.gather [hbm4b:s4+s15], $0x80, s26, s15, $0xb8;
	[tilespmem:$0x1E800] =	vst v63  }
0x47: {  	_ =	swait.ge [sflag:s18], $0x4000  }
0x48: {  	[sflag:s18] =	ssyncset.done $0x0  }
0x49: {  	[sflag:s18] =	ssyncadd.s32 $0xFFFFC000  }
0x4a: {  	[spmem:s2] =	stream.indirect.scatter.add.f32 [tilespmem:s16], [sflag:$0x3], $0x80, s22, s15, $0xb8;
	[tilespmem:$0x1E800] =	vst v63  }
0x4b: {  	_ =	swait.ge [sflag:s19], $0x4000  }
0x4c: {  	[sflag:s19] =	ssyncset.done $0x0  }
0x4d: {  	p1 =	slt.u32 @!p0 s24, $0x2;
	[sflag:s19] =	ssyncadd.s32 $0xFFFFC000  }
0x4e: {  	[spmem:s2] =	stream.indirect.scatter.add.f32 [tilespmem:s17], [sflag:$0x4], $0x80, s23, s15, $0xb8;
	[tilespmem:$0x1E800] =	vst v63  }
0x4f: {  	p1 =	por p0, !p1;
	_ =	swait.ge [sflag:s20], $0x4000  }
.Ltmp1:
0x50: {  	[sflag:s20] =	ssyncset.done $0x0;
	(pc) =	sbr.rel @!p1 .LBB2_2-.Ltmp1, $4  }
0x51: {  	[sflag:s20] =	ssyncadd.s32 $0xFFFFC000  }
0x52: {  	_ =	swait.ge [sflag:s21], $0x4000  }
0x53: {  	[sflag:s21] =	ssyncset.done $0x0  }
0x54: {  	s24 =	sadd.s32 $0x1, s24;
	[sflag:s21] =	ssyncadd.s32 $0xFFFFC000  }
0x55: {  	s3 =	sadd.s32 $0x1, s3  }
0x56: {  	p1 =	sne.s32 s3, s11  }
.Ltmp2:
0x57: {  	[bflag:$0x0] =	sbarrier.arrive $0xFFFF;
	(pc) =	sbr.rel @p1 .LBB2_1-.Ltmp2, $4  }
0x58: {  	[hbm:s10], [sflag:s9] =	dma.local [spmem:s12], $0x1400  }
0x59: {  	_ =	swait.ge [sflag:s13], $0x1400  }
0x5a: {  	[sflag:s13] =	ssyncset.done $0x0  }
0x5b: {  	[sflag:s13] =	ssyncadd.s32 $0xFFFFEC00  }
0x5c: {  	_ =	sfence.sel $0x180000  }
0x5d: {  	[bflag:$0x0] =	sbarrier.arrive $0xFFFF  }
0x5e: {  	p0 =	sne.s32 s1, $0x0;
	_ =	strace $0x9000004A  }
0x5f: {  	s0 =	sadd.s32 @!p0 $0x100000, s0;
	[bflag:$0x2] =	sbarrier.arrive $0xFFFF  }
0x60: {  	[sflag:s0] =	ssyncadd.tile.s32 @!p0 $0x1;
	_ =	shalt  }
.Lfunc_end2:
_tile_overlayer_lowered:
.L_overlay_start_2:
0x61: {  	(tag) =	ssettag $0x2  }
0x62: {  	s0 =	rddreg [dreg:$0x0];
	s2 =	stileid.u32  }
0x63: {  	s1 =	rddreg [dreg:$0x1];
	p0 =	sne.s32 s2, $0x0  }
0x64: {  	s3 =	rddreg [dreg:$0x2];
	[bflag:$0x3] =	sbarrier.arrive $0xFFFF;
	s2 =	simm.s32 @!p0 $0x1C05  }
0x65: {  	[timem:s3], [sflag:s2] =	dma.local @!p0 [hbm:s0], s1  }
0x66: {  	s0 =	simm.s32 @!p0 $0x5  }
0x67: {  	_ =	swait.ge @!p0 [sflag:s0], s1  }
0x68: {  	s1 =	ssub.s32 @!p0 $0x0, s1;
	[sflag:s0] =	ssyncset.done @!p0 $0x0  }
0x69: {  	[sflag:s0] =	ssyncadd.s32 @!p0 s1  }
0x6a: {  	[bflag:$0x3] =	sbarrier.arrive $0xFFFF  }
0x6b: {  	_ =	shalt  }

// kernel: kernel.7.cloned.1.call-start
scs
__scs_entry_jumppad:
0x0: {  	(pc) =	sbr.rel $0x88, $3  }
0x1: {  	(tag) =	ssettag $0x0;
	lr =	simm.s32 $0x1  }
0x2: {  	[smem:$0x3F9A] =	sst lr;
	_ =	strace $0xD0000000  }
0x3: {  	_ = 	snop  }
0x4: {  	_ = 	snop  }
0x5: {  	_ = 	snop  }
0x6: {  	_ = 	snop  }
0x7: {  	_ = 	snop  }
__scs_overlays_trampoline_lowered:
0x8: {  	[smem:$0x3FA9] =	sst s0  }
0x9: {  	[smem:$0x3FAA] =	sst s1  }
0xa: {  	[smem:$0x3FAB] =	sst s2  }
0xb: {  	[smem:$0x3FAC] =	sst s3  }
0xc: {  	[smem:$0x3FAD] =	sst s4  }
0xd: {  	[smem:$0x3FAE] =	sst s5  }
0xe: {  	[smem:$0x3FAF] =	sst s6  }
0xf: {  	[smem:$0x3FB0] =	sst s7  }
0x10: {  	[smem:$0x3FB1] =	sst s8  }
0x11: {  	[smem:$0x3FB2] =	sst s9;
	s0 =	simm.s32 @!p0 $0x0  }
0x12: {  	s1 =	sld [smem:$0x3F98];
	s0 =	simm.s32 @p0 $0x1  }
0x13: {  	[smem:$0x3FB3] =	sst s0;
	s0 =	simm.s32 @!p1 $0x0  }
0x14: {  	s2 =	sld [smem:$0x3F97];
	s0 =	simm.s32 @p1 $0x1  }
0x15: {  	[smem:$0x3FB4] =	sst s0;
	s0 =	simm.s32 @!p2 $0x0  }
0x16: {  	s3 =	sld [smem:$0x3FDB];
	s0 =	simm.s32 @p2 $0x1  }
0x17: {  	s4 =	simm.s32 $0x1BF5;
	[smem:$0x3FB6] =	sst s0  }
0x18: {  	s0 =	sld [smem:$0x3F99];
	_ =	swait.ge [sflag:s4], $0x0  }
0x19: {  	s7 =	sld [smem:$0x3F9A]  }
0x1a: {  	s8 =	sadd.s32 $0xFFFFE003, lr  }
0x1b: {  	s9 =	sadd.s32 $0xFFFFFEF7, lr;
	s5 =	simm.s32 $0xFFFFFFFF;
	p2 =	slt.u32 s8, $0xFFFFF086  }
0x1c: {  	p1 =	slt.u32 s9, $0xF7A;
	s5 =	simm.s32 @!p2 $0x0  }
0x1d: {  	s5 =	simm.s32 @p1 $0x1;
	p0 =	seq.s32 s7, s2  }
0x1e: {  	s7 =	smul.u32 @!p0 $0xF7A, s2;
	p2 =	seq.s32 @!p0 s5, $0x0  }
0x1f: {  	s9 =	smul.u32 $0xF7A, s1;
	s8 =	simm.s32 @!p0 $0x1BF5;
	p2 =	por !p2, p0  }
0x20: {  	[sflag:s8] =	ssyncset.s32 @!p0 $0xFFFFF086;
	s6 =	sadd.s32 @!p0 s3, s7;
	s7 =	simm.s32 @!p0 $0x108  }
0x21: {  	s3 =	sadd.s32 s3, s9;
	s6 =	sadd.s32 @!p0 $0x88, s6;
	s7 =	simm.s32 @p2 $0x1082  }
0x22: {  	[simem:s7], [sflag:s8] =	dma.local @!p0 [hbm:s6], $0xF7A  }
0x23: {  	s9 =	sor.u32 $0xD0000000, s2;
	s6 =	simm.s32 $0x108;
	_ =	swait.ge @!p0 [sflag:s8], $0x0  }
0x24: {  	s3 =	sadd.s32 $0x88, s3;
	s6 =	simm.s32 @!p1 $0x1082;
	[sflag:s4] =	ssyncset.s32 $0xFFFFF086  }
0x25: {  	[simem:s6], [sflag:s4] =	dma.local [hbm:s3], $0xF7A  }
0x26: {  	[smem:$0x3F9A] =	sst s1;
	(tag) =	ssettag s2;
	_ =	strace s9  }
0x27: {  	s1 =	sld [smem:$0x3FAA]  }
0x28: {  	s2 =	sld [smem:$0x3FAB]  }
0x29: {  	s4 =	sld [smem:$0x3FAD]  }
0x2a: {  	p0 =	seq.s32 s5, $0x0;
	s5 =	sld [smem:$0x3FAE]  }
0x2b: {  	s6 =	sld [smem:$0x3FAF]  }
0x2c: {  	s7 =	sld [smem:$0x3FB0]  }
0x2d: {  	s3 =	simm.s32 $0x108;
	s8 =	sld [smem:$0x3FB1]  }
0x2e: {  	s3 =	simm.s32 @!p0 $0x1082;
	s9 =	sld [smem:$0x3FB2]  }
0x2f: {  	lr =	sadd.s32 s0, s3;
	s0 =	sld [smem:$0x3FA9]  }
0x30: {  	s3 =	sld [smem:$0x3FAC]  }
0x31: {  	[smem:$0x3FB5] =	sst s10  }
0x32: {  	s10 =	sld [smem:$0x3FB3];
	_ =	sdelay $0x3  }
0x33: {  	p0 =	seq.s32 s10, $0x1;
	s10 =	sld [smem:$0x3FB5];
	_ =	sdelay $0x3  }
0x34: {  	[smem:$0x3FB5] =	sst s10  }
0x35: {  	s10 =	sld [smem:$0x3FB4];
	_ =	sdelay $0x3  }
0x36: {  	p1 =	seq.s32 s10, $0x1;
	s10 =	sld [smem:$0x3FB5];
	_ =	sdelay $0x3  }
0x37: {  	[smem:$0x3FB5] =	sst s10  }
0x38: {  	s10 =	sld [smem:$0x3FB6]  }
0x39: {  	_ = 	snop;
	(pc) =	sbr.ind lr, $3  }
0x3a: {  	_ = 	snop  }
0x3b: {  	_ = 	snop  }
0x3c: {  	p2 =	seq.s32 s10, $0x1;
	s10 =	sld [smem:$0x3FB5]  }
0x3d: {  	_ =	shalt  }
0x3e: {  	_ =	shalt  }
0x3f: {  	_ =	shalt  }
0x40: {  	_ =	shalt  }
0x41: {  	_ =	shalt  }
0x42: {  	_ =	shalt  }
0x43: {  	_ =	shalt  }
0x44: {  	_ =	shalt  }
0x45: {  	_ =	shalt  }
0x46: {  	_ =	shalt  }
0x47: {  	_ =	shalt  }
0x48: {  	_ =	shalt  }
0x49: {  	_ =	shalt  }
0x4a: {  	_ =	shalt  }
0x4b: {  	_ =	shalt  }
0x4c: {  	_ =	shalt  }
0x4d: {  	_ =	shalt  }
0x4e: {  	_ =	shalt  }
0x4f: {  	_ =	shalt  }
0x50: {  	_ =	shalt  }
0x51: {  	_ =	shalt  }
0x52: {  	_ =	shalt  }
0x53: {  	_ =	shalt  }
0x54: {  	_ =	shalt  }
0x55: {  	_ =	shalt  }
0x56: {  	_ =	shalt  }
0x57: {  	_ =	shalt  }
0x58: {  	_ =	shalt  }
0x59: {  	_ =	shalt  }
0x5a: {  	_ =	shalt  }
0x5b: {  	_ =	shalt  }
0x5c: {  	_ =	shalt  }
0x5d: {  	_ =	shalt  }
0x5e: {  	_ =	shalt  }
0x5f: {  	_ =	shalt  }
0x60: {  	_ =	shalt  }
0x61: {  	_ =	shalt  }
0x62: {  	_ =	shalt  }
0x63: {  	_ =	shalt  }
0x64: {  	_ =	shalt  }
0x65: {  	_ =	shalt  }
0x66: {  	_ =	shalt  }
0x67: {  	_ =	shalt  }
0x68: {  	_ =	shalt  }
0x69: {  	_ =	shalt  }
0x6a: {  	_ =	shalt  }
0x6b: {  	_ =	shalt  }
0x6c: {  	_ =	shalt  }
0x6d: {  	_ =	shalt  }
0x6e: {  	_ =	shalt  }
0x6f: {  	_ =	shalt  }
0x70: {  	_ =	shalt  }
0x71: {  	_ =	shalt  }
0x72: {  	_ =	shalt  }
0x73: {  	_ =	shalt  }
0x74: {  	_ =	shalt  }
0x75: {  	_ =	shalt  }
0x76: {  	_ =	shalt  }
0x77: {  	_ =	shalt  }
0x78: {  	_ =	shalt  }
0x79: {  	_ =	shalt  }
0x7a: {  	_ =	shalt  }
0x7b: {  	_ =	shalt  }
0x7c: {  	_ =	shalt  }
0x7d: {  	_ =	shalt  }
0x7e: {  	_ =	shalt  }
0x7f: {  	_ =	shalt  }
0x80: {  	_ =	shalt  }
0x81: {  	_ =	shalt  }
0x82: {  	_ =	shalt  }
0x83: {  	_ =	shalt  }
0x84: {  	_ =	shalt  }
0x85: {  	_ =	shalt  }
0x86: {  	_ =	shalt  }
0x87: {  	_ =	shalt  }
.Lfunc_end0:
.L_simem_size_0:
called_computation_lowered:
.L_overlay_start_0:
0x88: {  	s2 =	sld [smem:$0x3FD9]  }
0x89: {  	s3 =	sld [smem:$0x3FFE];
	_ =	sdelay $0x1  }
0x8a: {  	s1 =	srdreg.scid  }
0x8b: {  	s0 =	sand.u32 $0x1, s1  }
0x8c: {  	s16 =	sshll.u32 s0, $0xA;
	s2 =	sadd.s32 s3, s2  }
0x8d: {  	s2 =	sadd.s32 s2, s16  }
0x8e: {  	[smem:$0x3FC1] =	sst s2  }
0x8f: {  	_ = 	snop  }
0x90: {  	(tm) =	ssettm $0x1  }
0x91: {  	s17 =	sld [smem:$0x3FFB];
	_ =	sdelay $0x3  }
0x92: {  	_ =	strace s17  }
0x93: {  	s2 =	sld [smem:$0x3FFC];
	_ =	sdelay $0x3  }
0x94: {  	_ =	strace s2  }
0x95: {  	s2 =	sld [smem:$0x3FFD];
	_ =	sdelay $0x3  }
0x96: {  	_ =	strace s2  }
0x97: {  	_ =	strace $0x8FFFFFFF  }
0x98: {  	s18 =	sld [smem:$0x3FDB];
	_ =	sdelay $0x1  }
0x99: {  	s19 =	simm.s32 $_scs_section_size  }
0x9a: {  	s4 =	simm.s32 $_size__tile_overlayer_lowered;
	s5 =	simm.s32 $_tile_overlayer_lowered  }
0x9b: {  	s22 =	simm.s32 $0x1BFF;
	s21 =	sshll.u32 s5, $0x1;
	s2 =	sadd.s32 s19, s18  }
0x9c: {  	s6 =	simm.s32 $0x0;
	s20 =	sshll.u32 s4, $0x1;
	s4 =	sadd.s32 s21, s2  }
0x9d: {  	[timem:s6], [sflag:s22] =	dma.local [hbm:s4], s20  }
0x9e: {  	_ =	swait.ge [sflag:s22], s20  }
0x9f: {  	s3 =	ssub.s32 $0x0, s20;
	[sflag:s22] =	ssyncset.done $0x0  }
0xa0: {  	[sflag:s22] =	ssyncadd.s32 s3;
	_ =	sdelay $0x1  }
0xa1: {  	s23 =	simm.s32 $0x1B8B  }
0xa2: {  	_ =	swait.ge [sflag:s23], $0x1  }
0xa3: {  	[sflag:s23] =	ssyncset.done $0x0  }
0xa4: {  	s25 =	simm.s32 $0x1B8E;
	s24 =	sld [smem:$0x3FFE];
	[sflag:s23] =	ssyncadd.s32 $0xFFFFFFFF  }
0xa5: {  	s26 =	simm.s32 $execute0_lowered;
	[smem:$0x3FD2] =	sst s25  }
0xa6: {  	s4 =	sshll.u32 s26, $0x1;
	_ =	strace $0x80000046;
	[dreg:$0x1] =	wrdreg $0xFFFFFFFF  }
0xa7: {  	s28 =	simm.s32 $_size_execute0_lowered;
	s2 =	sadd.s32 s2, s4;
	[dreg:$0x0] =	wrdreg $0x0  }
0xa8: {  	s4 =	sshll.u32 s28, $0x1;
	[dreg:$0x2] =	wrdreg s2  }
0xa9: {  	[dreg:$0x3] =	wrdreg s4  }
0xaa: {  	[dreg:$0x4] =	wrdreg $0xC0  }
0xab: {  	_ =	task [dreg:s6], $0x5FFFF  }
0xac: {  	[dreg:$0x1] =	wrdreg $0xFFFFFFFF  }
0xad: {  	[dreg:$0x0] =	wrdreg $0x60  }
0xae: {  	[dreg:$0x2] =	wrdreg s24  }
0xaf: {  	[dreg:$0x3] =	wrdreg $0x68000  }
0xb0: {  	[dreg:$0x4] =	wrdreg $0x9  }
0xb1: {  	_ =	task.clear_ibuf [dreg:s6], $0x5FFFF;
	_ =	strace $0x90000046  }
0xb2: {  	s29 =	simm.s32 $0x9;
	_ =	strace $0x80000048  }
0xb3: {  	_ =	swait.ge [sflag:s29], $0x1  }
0xb4: {  	[sflag:s29] =	ssyncadd.s32 $0xFFFFFFFF  }
0xb5: {  	_ =	strace $0x90000048  }
0xb6: {  	_ =	sfence  }
0xb7: {  	s30 =	sld [smem:$0x0];
	_ =	sdelay $0x2  }
0xb8: {  	s31 =	sshll.u32 s1, $0xD;
	s1 =	sshrl.u32 s1, $0x2  }
0xb9: {  	s3 =	sand.u32 $0x4000, s31;
	s1 =	sadd.s32 s1, s30  }
0xba: {  	s0 =	sor.u32 s3, s0;
	s1 =	sshll.u32 s1, $0x11  }
0xbb: {  	s0 =	sor.u32 s1, s0  }
0xbc: {  	s0 =	sadd.s32 $0x8F2B, s0  }
0xbd: {  	[sflag:s0] =	ssyncadd.remote.s32 $0x1  }
0xbe: {  	_ =	sfence.sel $0xFFFF  }
0xbf: {  	[dreg:$0x0] =	wrdreg $0xFFFFFFFF;
	(pc) =	sbr.abs _section_cstart, $3  }
0xc0: {  	[dreg:$0x1] =	wrdreg $0xFFFFFFFF  }
0xc1: {  	_ =	task.clear_ibuf [dreg:s6], $0x2FFFF;
	_ =	strace $0x9FFFFFFF  }
0xc2: {  	(tm) =	ssettm $0x7FFFFFFF  }
0xc3: {  	_ =	shalt  }
tec
execute0_lowered:
.L_overlay_start_1:
0x0: {  	(tag) =	ssettag $0x1  }
0x1: {  	s6 =	rddreg [dreg:$0x0]  }
0x2: {  	s0 =	srdreg.scid;
	s2 =	rddreg [dreg:$0x1]  }
0x3: {  	s3 =	simm.s32 $0x0;
	s5 =	sand.u32 $0x1, s0;
	s0 =	stileid.u32  }
0x4: {  	s13 =	simm.s32 $0x80;
	s14 =	simm.s32 $0x1;
	s7 =	smul.u32 $0x1400, s0  }
0x5: {  	s15 =	simm.s32 $0x0;
	[smem:$0x7FF] =	sst s3;
	s9 =	smul.u32 $0x28000, s5  }
0x6: {  	s1 =	sshll.u32 s5, $0x4;
	s10 =	ssub.s32 $0x2, s5;
	s11 =	smul.u32 $0x28000, s0  }
0x7: {  	s5 =	sadd.s32 $0x16400, s6;
	s31 =	sshll.u32 s0, $0x6;
	s4 =	sor.u32 s0, s1  }
0x8: {  	s1 =	rddreg [dreg:$0x2];
	_ =	strace $0x80000047;
	s29 =	sshrl.u32 s10, $0x1  }
0x9: {  	s4 =	smul.u32 $0x500, s4;
	s7 =	sadd.s32 s7, s9;
	s9 =	ssub.s32 s10, s29  }
0xa: {  	s30 =	sshrl.u32 s11, $0x2;
	s10 =	simm.s32 $0x2;
	s11 =	sor.u32 $0x1C02, s31  }
0xb: {  	s7 =	sadd.s32 s7, s6;
	s12 =	sadd.s32 s30, s2;
	s8 =	sadd.s32 s4, s6  }
0xc: {  	s4 =	sadd.s32 $0x17800, s6;
	s7 =	sadd.s32 $0x18000, s7;
	s12 =	sshrl.u32 s12, $0x3  }
0xd: {  	s6 =	sadd.s32 $0xC400, s8;
	s8 =	smax.u32 s9, $0x1;
	s9 =	simm.s32 $0x2800  }
.LBB2_1:
0xe: {  	[tilespmem:s9], [sflag:$0x2] =	stream.linear.gather [hbm4b:s4+s3], $0x4000, $0x38;
	[tilespmem:$0x9000] =	vst v63  }
0xf: {  	_ =	swait.ge [sflag:s10], $0x4000  }
0x10: {  	[sflag:s10] =	ssyncset.done $0x0  }
0x11: {  	[sflag:s10] =	ssyncadd.s32 $0xFFFFC000  }
0x12: {  	[spmem:s12], [sflag:s11] =	dma.local [hbm:s5], $0x1400  }
0x13: {  	_ =	swait.ge [sflag:s10], $0x1400  }
0x14: {  	[sflag:s10] =	ssyncset.done $0x0  }
0x15: {  	[sflag:s10] =	ssyncadd.s32 $0xFFFFEC00  }
0x16: {  	[tilespmem:s3], [sflag:$0x2] =	stream.linear.gather [hbm4b:s6+s3], $0x2800, $0x38;
	[tilespmem:$0x9000] =	vst v63  }
0x17: {  	_ =	swait.ge [sflag:s10], $0x2800  }
0x18: {  	[sflag:s10] =	ssyncset.done $0x0  }
0x19: {  	[sflag:s10] =	ssyncadd.s32 $0xFFFFD800  }
0x1a: {  	s16 =	simm.s32 $0x0;
	[bflag:$0x0] =	sbarrier.arrive $0xFFFF  }
0x1b: {  	[spmem:s2] =	stream.indirect.scatter.add.f32 [tilespmem:s9], [sflag:$0x1], $0x10, s16, s13, $0xb8;
	[tilespmem:$0x9000] =	vst v63  }
0x1c: {  	s24 =	simm.s32 $0x80  }
0x1d: {  	[spmem:s2] =	stream.indirect.scatter.add.f32 [tilespmem:s9], [sflag:$0x1], $0x10, s24, s13, $0xb8;
	[tilespmem:$0x9000] =	vst v63  }
0x1e: {  	s25 =	simm.s32 $0x100  }
0x1f: {  	[spmem:s2] =	stream.indirect.scatter.add.f32 [tilespmem:s9], [sflag:$0x1], $0x10, s25, s13, $0xb8;
	[tilespmem:$0x9000] =	vst v63  }
0x20: {  	s26 =	simm.s32 $0x180  }
0x21: {  	[spmem:s2] =	stream.indirect.scatter.add.f32 [tilespmem:s9], [sflag:$0x1], $0x10, s26, s13, $0xb8;
	[tilespmem:$0x9000] =	vst v63  }
0x22: {  	s28 =	simm.s32 $0x200  }
0x23: {  	[spmem:s2] =	stream.indirect.scatter.add.f32 [tilespmem:s9], [sflag:$0x1], $0x10, s28, s13, $0xb8;
	[tilespmem:$0x9000] =	vst v63  }
0x24: {  	s29 =	simm.s32 $0x280  }
0x25: {  	[spmem:s2] =	stream.indirect.scatter.add.f32 [tilespmem:s9], [sflag:$0x1], $0x10, s29, s13, $0xb8;
	[tilespmem:$0x9000] =	vst v63  }
0x26: {  	s30 =	simm.s32 $0x300  }
0x27: {  	[spmem:s2] =	stream.indirect.scatter.add.f32 [tilespmem:s9], [sflag:$0x1], $0x10, s30, s13, $0xb8;
	[tilespmem:$0x9000] =	vst v63  }
0x28: {  	s31 =	simm.s32 $0x380  }
0x29: {  	[spmem:s2] =	stream.indirect.scatter.add.f32 [tilespmem:s9], [sflag:$0x1], $0x10, s31, s13, $0xb8;
	[tilespmem:$0x9000] =	vst v63  }
0x2a: {  	_ =	swait.ge [sflag:s14], $0x800  }
0x2b: {  	[sflag:s14] =	ssyncset.done $0x0  }
0x2c: {  	[sflag:s14] =	ssyncadd.s32 $0xFFFFF800  }
0x2d: {  	_ =	swait.ge [sflag:s14], $0x800  }
0x2e: {  	[sflag:s14] =	ssyncset.done $0x0  }
0x2f: {  	[sflag:s14] =	ssyncadd.s32 $0xFFFFF800  }
0x30: {  	_ =	swait.ge [sflag:s14], $0x800  }
0x31: {  	[sflag:s14] =	ssyncset.done $0x0  }
0x32: {  	[sflag:s14] =	ssyncadd.s32 $0xFFFFF800  }
0x33: {  	_ =	swait.ge [sflag:s14], $0x800  }
0x34: {  	[sflag:s14] =	ssyncset.done $0x0  }
0x35: {  	[sflag:s14] =	ssyncadd.s32 $0xFFFFF800  }
0x36: {  	_ =	swait.ge [sflag:s14], $0x800  }
0x37: {  	[sflag:s14] =	ssyncset.done $0x0  }
0x38: {  	[sflag:s14] =	ssyncadd.s32 $0xFFFFF800  }
0x39: {  	_ =	swait.ge [sflag:s14], $0x800  }
0x3a: {  	[sflag:s14] =	ssyncset.done $0x0  }
0x3b: {  	[sflag:s14] =	ssyncadd.s32 $0xFFFFF800  }
0x3c: {  	_ =	swait.ge [sflag:s14], $0x800  }
0x3d: {  	[sflag:s14] =	ssyncset.done $0x0  }
0x3e: {  	[sflag:s14] =	ssyncadd.s32 $0xFFFFF800  }
0x3f: {  	_ =	swait.ge [sflag:s14], $0x800  }
0x40: {  	s18 =	simm.s32 $0x2000;
	s16 =	simm.s32 $0x1000;
	[sflag:s14] =	ssyncset.done $0x0  }
.LBB2_2:
0x41: {  	s19 =	sshra.s32 s16, $0x2  }
0x42: {  	[sflag:s14] =	ssyncadd.s32 $0xFFFFF800;
	s16 =	smov.u32 s18;
	s17 =	sadd.s32 $0x1000, s18  }
0x43: {  	[spmem:s2] =	stream.indirect.scatter.add.f32 [tilespmem:s9], [sflag:$0x1], $0x10, s19, s13, $0xb8;
	[tilespmem:$0x9000] =	vst v63  }
0x44: {  	p0 =	sne.s32 s18, $0x9000;
	s18 =	sadd.s32 $0x80, s19  }
0x45: {  	[spmem:s2] =	stream.indirect.scatter.add.f32 [tilespmem:s9], [sflag:$0x1], $0x10, s18, s13, $0xb8;
	[tilespmem:$0x9000] =	vst v63  }
0x46: {  	s18 =	sadd.s32 $0x100, s19  }
0x47: {  	[spmem:s2] =	stream.indirect.scatter.add.f32 [tilespmem:s9], [sflag:$0x1], $0x10, s18, s13, $0xb8;
	[tilespmem:$0x9000] =	vst v63  }
0x48: {  	s18 =	sadd.s32 $0x180, s19  }
0x49: {  	[spmem:s2] =	stream.indirect.scatter.add.f32 [tilespmem:s9], [sflag:$0x1], $0x10, s18, s13, $0xb8;
	[tilespmem:$0x9000] =	vst v63  }
0x4a: {  	s18 =	sadd.s32 $0x200, s19  }
0x4b: {  	[spmem:s2] =	stream.indirect.scatter.add.f32 [tilespmem:s9], [sflag:$0x1], $0x10, s18, s13, $0xb8;
	[tilespmem:$0x9000] =	vst v63  }
0x4c: {  	s18 =	sadd.s32 $0x280, s19  }
0x4d: {  	[spmem:s2] =	stream.indirect.scatter.add.f32 [tilespmem:s9], [sflag:$0x1], $0x10, s18, s13, $0xb8;
	[tilespmem:$0x9000] =	vst v63  }
0x4e: {  	s18 =	sadd.s32 $0x300, s19  }
0x4f: {  	[spmem:s2] =	stream.indirect.scatter.add.f32 [tilespmem:s9], [sflag:$0x1], $0x10, s18, s13, $0xb8;
	[tilespmem:$0x9000] =	vst v63  }
0x50: {  	s18 =	sadd.s32 $0x380, s19  }
0x51: {  	[spmem:s2] =	stream.indirect.scatter.add.f32 [tilespmem:s9], [sflag:$0x1], $0x10, s18, s13, $0xb8;
	[tilespmem:$0x9000] =	vst v63  }
0x52: {  	_ =	swait.ge [sflag:s14], $0x800  }
0x53: {  	[sflag:s14] =	ssyncset.done $0x0  }
0x54: {  	[sflag:s14] =	ssyncadd.s32 $0xFFFFF800  }
0x55: {  	_ =	swait.ge [sflag:s14], $0x800  }
0x56: {  	[sflag:s14] =	ssyncset.done $0x0  }
0x57: {  	[sflag:s14] =	ssyncadd.s32 $0xFFFFF800  }
0x58: {  	_ =	swait.ge [sflag:s14], $0x800  }
0x59: {  	[sflag:s14] =	ssyncset.done $0x0  }
0x5a: {  	[sflag:s14] =	ssyncadd.s32 $0xFFFFF800  }
0x5b: {  	_ =	swait.ge [sflag:s14], $0x800  }
0x5c: {  	[sflag:s14] =	ssyncset.done $0x0  }
0x5d: {  	[sflag:s14] =	ssyncadd.s32 $0xFFFFF800  }
0x5e: {  	_ =	swait.ge [sflag:s14], $0x800  }
0x5f: {  	[sflag:s14] =	ssyncset.done $0x0  }
0x60: {  	[sflag:s14] =	ssyncadd.s32 $0xFFFFF800  }
0x61: {  	_ =	swait.ge [sflag:s14], $0x800  }
0x62: {  	[sflag:s14] =	ssyncset.done $0x0  }
0x63: {  	[sflag:s14] =	ssyncadd.s32 $0xFFFFF800  }
.Ltmp0:
0x64: {  	_ =	swait.ge [sflag:s14], $0x800;
	(pc) =	sbr.rel @p0 .LBB2_2-.Ltmp0, $4  }
0x65: {  	[sflag:s14] =	ssyncset.done $0x0  }
0x66: {  	[sflag:s14] =	ssyncadd.s32 $0xFFFFF800  }
0x67: {  	_ =	swait.ge [sflag:s14], $0x800  }
0x68: {  	s18 =	smov.u32 s17;
	[sflag:s14] =	ssyncset.done $0x0  }
0x69: {  	s16 =	sshra.s32 s16, $0x2;
	[sflag:s14] =	ssyncadd.s32 $0xFFFFF800  }
0x6a: {  	[spmem:s2] =	stream.indirect.scatter.add.f32 [tilespmem:s9], [sflag:$0x1], $0x10, s16, s13, $0xb8;
	[tilespmem:$0x9000] =	vst v63  }
0x6b: {  	s17 =	sadd.s32 $0x80, s16  }
0x6c: {  	[spmem:s2] =	stream.indirect.scatter.add.f32 [tilespmem:s9], [sflag:$0x1], $0x10, s17, s13, $0xb8;
	[tilespmem:$0x9000] =	vst v63  }
0x6d: {  	s26 =	sadd.s32 $0x100, s16  }
0x6e: {  	[spmem:s2] =	stream.indirect.scatter.add.f32 [tilespmem:s9], [sflag:$0x1], $0x10, s26, s13, $0xb8;
	[tilespmem:$0x9000] =	vst v63  }
0x6f: {  	s28 =	sadd.s32 $0x180, s16  }
0x70: {  	[spmem:s2] =	stream.indirect.scatter.add.f32 [tilespmem:s9], [sflag:$0x1], $0x10, s28, s13, $0xb8;
	[tilespmem:$0x9000] =	vst v63  }
0x71: {  	s29 =	sadd.s32 $0x200, s16  }
0x72: {  	[spmem:s2] =	stream.indirect.scatter.add.f32 [tilespmem:s9], [sflag:$0x1], $0x10, s29, s13, $0xb8;
	[tilespmem:$0x9000] =	vst v63  }
0x73: {  	s30 =	sadd.s32 $0x280, s16  }
0x74: {  	[spmem:s2] =	stream.indirect.scatter.add.f32 [tilespmem:s9], [sflag:$0x1], $0x10, s30, s13, $0xb8;
	[tilespmem:$0x9000] =	vst v63  }
0x75: {  	s31 =	sadd.s32 $0x300, s16  }
0x76: {  	[spmem:s2] =	stream.indirect.scatter.add.f32 [tilespmem:s9], [sflag:$0x1], $0x10, s31, s13, $0xb8;
	[tilespmem:$0x9000] =	vst v63  }
0x77: {  	s16 =	sadd.s32 $0x380, s16  }
0x78: {  	[spmem:s2] =	stream.indirect.scatter.add.f32 [tilespmem:s9], [sflag:$0x1], $0x10, s16, s13, $0xb8;
	[tilespmem:$0x9000] =	vst v63  }
0x79: {  	_ =	swait.ge [sflag:s14], $0x800  }
0x7a: {  	[sflag:s14] =	ssyncset.done $0x0  }
0x7b: {  	[sflag:s14] =	ssyncadd.s32 $0xFFFFF800  }
0x7c: {  	_ =	swait.ge [sflag:s14], $0x800  }
0x7d: {  	[sflag:s14] =	ssyncset.done $0x0  }
0x7e: {  	[sflag:s14] =	ssyncadd.s32 $0xFFFFF800  }
0x7f: {  	_ =	swait.ge [sflag:s14], $0x800  }
0x80: {  	[sflag:s14] =	ssyncset.done $0x0  }
0x81: {  	[sflag:s14] =	ssyncadd.s32 $0xFFFFF800  }
0x82: {  	_ =	swait.ge [sflag:s14], $0x800  }
0x83: {  	[sflag:s14] =	ssyncset.done $0x0  }
0x84: {  	[sflag:s14] =	ssyncadd.s32 $0xFFFFF800  }
0x85: {  	_ =	swait.ge [sflag:s14], $0x800  }
0x86: {  	[sflag:s14] =	ssyncset.done $0x0  }
0x87: {  	[sflag:s14] =	ssyncadd.s32 $0xFFFFF800  }
0x88: {  	_ =	swait.ge [sflag:s14], $0x800  }
0x89: {  	[sflag:s14] =	ssyncset.done $0x0  }
0x8a: {  	[sflag:s14] =	ssyncadd.s32 $0xFFFFF800  }
0x8b: {  	_ =	swait.ge [sflag:s14], $0x800  }
0x8c: {  	[sflag:s14] =	ssyncset.done $0x0  }
0x8d: {  	[sflag:s14] =	ssyncadd.s32 $0xFFFFF800  }
0x8e: {  	_ =	swait.ge [sflag:s14], $0x800  }
0x8f: {  	s15 =	sadd.s32 $0x1, s15;
	[sflag:s14] =	ssyncset.done $0x0  }
0x90: {  	p0 =	sne.s32 s15, s8;
	[sflag:s14] =	ssyncadd.s32 $0xFFFFF800  }
.Ltmp1:
0x91: {  	[bflag:$0x0] =	sbarrier.arrive $0xFFFF;
	(pc) =	sbr.rel @p0 .LBB2_1-.Ltmp1, $4  }
0x92: {  	[hbm:s7], [sflag:s11] =	dma.local [spmem:s12], $0x1400  }
0x93: {  	_ =	swait.ge [sflag:s10], $0x1400  }
0x94: {  	[sflag:s10] =	ssyncset.done $0x0  }
0x95: {  	[sflag:s10] =	ssyncadd.s32 $0xFFFFEC00  }
0x96: {  	_ =	sfence.sel $0x180000  }
0x97: {  	[bflag:$0x0] =	sbarrier.arrive $0xFFFF  }
0x98: {  	p0 =	sne.s32 s0, $0x0;
	_ =	strace $0x90000047  }
0x99: {  	s0 =	sadd.s32 @!p0 $0x100000, s1;
	[bflag:$0x2] =	sbarrier.arrive $0xFFFF  }
0x9a: {  	[sflag:s0] =	ssyncadd.tile.s32 @!p0 $0x1;
	_ =	shalt  }
.Lfunc_end2:
_tile_overlayer_lowered:
.L_overlay_start_2:
0x9b: {  	(tag) =	ssettag $0x2  }
0x9c: {  	s0 =	rddreg [dreg:$0x0];
	s2 =	stileid.u32  }
0x9d: {  	s1 =	rddreg [dreg:$0x1];
	p0 =	sne.s32 s2, $0x0  }
0x9e: {  	s3 =	rddreg [dreg:$0x2];
	[bflag:$0x3] =	sbarrier.arrive $0xFFFF;
	s2 =	simm.s32 @!p0 $0x1C02  }
0x9f: {  	[timem:s3], [sflag:s2] =	dma.local @!p0 [hbm:s0], s1  }
0xa0: {  	s0 =	simm.s32 @!p0 $0x2  }
0xa1: {  	_ =	swait.ge @!p0 [sflag:s0], s1  }
0xa2: {  	s1 =	ssub.s32 @!p0 $0x0, s1;
	[sflag:s0] =	ssyncset.done @!p0 $0x0  }
0xa3: {  	[sflag:s0] =	ssyncadd.s32 @!p0 s1  }
0xa4: {  	[bflag:$0x3] =	sbarrier.arrive $0xFFFF  }
0xa5: {  	_ =	shalt  }

</sc_bundles>
